<compile_context>
chip_gen: v7x
topology: tpu7x:2x2x1
jax: 0.10.2.dev20260603
libtpu: 0.0.44.dev20260713+nightly
codegen_flags: <defaults>
</compile_context>

<pallas_src>
import jax
import jax.numpy as jnp
from jax import lax
from jax.experimental import pallas as pl
from jax.experimental.pallas import tpu as pltpu
from jax.experimental.pallas import tpu_sc as plsc

_NW = 32
_LANES = 16


def _sc_body(coords_hbm, agent_hbm, out_hbm,
             coords_v, agent_v, rows_v, sem):
    s_sz, ch_sz, h, w_sz = out_hbm.shape
    rows_per_tile = (s_sz * ch_sz) // _NW
    tiles_per_scene = ch_sz // rows_per_tile

    wid = lax.axis_index("s") * 2 + lax.axis_index("c")
    s = wid // tiles_per_scene
    ch0 = pl.multiple_of((wid % tiles_per_scene) * rows_per_tile,
                         rows_per_tile)

    pltpu.sync_copy(coords_hbm, coords_v)
    cv = coords_v[...]
    c0 = cv[0]
    c1 = cv[1]
    sid = cv[2]

    @pl.when(s == sid)
    def _():
        c1a = pl.multiple_of((c1 // _LANES) * _LANES, _LANES)
        lc = c1 - c1a
        pltpu.sync_copy(agent_hbm.at[pl.ds(ch0, rows_per_tile)], agent_v)
        gathers = [
            pltpu.async_copy(
                out_hbm.at[s, ch0 + i, c0, pl.ds(c1a, _LANES)],
                rows_v.at[i], sem)
            for i in range(rows_per_tile)
        ]
        for g in gathers:
            g.wait()
        av = agent_v[...]
        iota = lax.broadcasted_iota(jnp.int32, (_LANES,), 0)
        mask = iota == lc
        for i in range(rows_per_tile):
            v = rows_v[i]
            rows_v[i] = jnp.where(mask, jnp.maximum(v, av[i]), v)
        scatters = [
            pltpu.async_copy(
                rows_v.at[i],
                out_hbm.at[s, ch0 + i, c0, pl.ds(c1a, _LANES)], sem)
            for i in range(rows_per_tile)
        ]
        for sc in scatters:
            sc.wait()


def kernel(input_grid, input_state_of_agent, coordinates_at_last_frame, scene_id):
    s, ch, h, w = input_grid.shape
    coords = jnp.zeros((_LANES,), jnp.int32)
    coords = coords.at[0].set(coordinates_at_last_frame[0].astype(jnp.int32))
    coords = coords.at[1].set(coordinates_at_last_frame[1].astype(jnp.int32))
    coords = coords.at[2].set(jnp.asarray(scene_id, jnp.int32))
    agent = input_state_of_agent.reshape(ch).astype(jnp.float32)

    grid_ref = jax.new_ref(input_grid)

    sc_kernel = pl.kernel(
        _sc_body,
        out_type=(),
        mesh=plsc.VectorSubcoreMesh(
            core_axis_name="c", subcore_axis_name="s",
            num_cores=2, num_subcores=16,
        ),
        scratch_types=[
            pltpu.VMEM((_LANES,), jnp.int32),
            pltpu.VMEM((_LANES,), jnp.float32),
            pltpu.VMEM((_LANES, _LANES), jnp.float32),
            pltpu.SemaphoreType.DMA,
        ],
    )
    sc_kernel(coords, agent, grid_ref)
    return jax.freeze(grid_ref)

# --- scband reference (transcript-rebuilt; emitter-appended) ---
"""Pipeline reference for scband-attention-tensor-creation-4526895530121 (READ-ONLY COPY).

The authoritative reference and input builder live on the scoring server;
editing this copy changes nothing except your own understanding.
"""

import jax, jax.numpy as jnp
import numpy as np


def setup_inputs(seed: int = 0) -> dict:
    key = jax.random.key(seed)
    k1, k2, k3 = jax.random.split(key, 3)
    input_grid = jax.random.normal(k1, (8, 64, 256, 256), dtype=jnp.float32)
    input_state_of_agent = jax.random.normal(k2, (1, 64, 1), dtype=jnp.float32)
    coordinates_at_last_frame = jax.random.randint(k3, (2,), 0, 256, dtype=jnp.int64 if jax.config.jax_enable_x64 else jnp.int32).astype(jnp.int32)
    scene_id = 3
    return {
        "input_grid": input_grid,
        "input_state_of_agent": input_state_of_agent,
        "coordinates_at_last_frame": coordinates_at_last_frame,
        "scene_id": scene_id,
    }


def reference(input_grid, input_state_of_agent, coordinates_at_last_frame, scene_id):
    # Faithful translation of AttentionTensorCreation.forward:
    #   ori_state = input_grid[scene_id, :, coord[0], coord[1]]
    #   pooled_state = max(ori_state, input_state_of_agent[0, :, 0])
    #   input_grid[scene_id, :, coord[0], coord[1]] = pooled_state
    c0 = coordinates_at_last_frame[0]
    c1 = coordinates_at_last_frame[1]
    ori_state = input_grid[scene_id, :, c0, c1]
    pooled_state = jnp.maximum(ori_state.astype(jnp.float32),
                               input_state_of_agent[0, :, 0].astype(jnp.float32))
    out_grid = input_grid.at[scene_id, :, c0, c1].set(pooled_state)
    return out_grid

if __name__ == "__main__":
    import jax
    _d = setup_inputs()
    print(jax.jit(kernel)(*tuple(_d.values())))

</pallas_src>

<mosaic_0001>
#map = affine_map<(d0, d1) -> (0)>
#map1 = affine_map<(d0, d1) -> (0, 0, 0, 0)>
module attributes {stable_mosaic.version = 14 : i64} {
  func.func @new_body(%arg0: i32, %arg1: i32, %arg2: memref<16xi32, #tpu.memory_space<hbm>>, %arg3: memref<64xf32, #tpu.memory_space<hbm>>, %arg4: memref<8x64x256x256xf32, #tpu.memory_space<hbm>>, %arg5: memref<8x64x256x256xf32, #tpu.memory_space<hbm>>, %arg6: memref<16xi32, #tpu.memory_space<vmem>>, %arg7: memref<16xf32, #tpu.memory_space<vmem>>, %arg8: memref<16x16xf32, #tpu.memory_space<vmem>>, %arg9: memref<!tpu.dma_semaphore, #tpu.memory_space<semaphore_mem>>) attributes {dimension_semantics = [#tpu.dimension_semantics<core_parallel>, #tpu.dimension_semantics<subcore_parallel>], iteration_bounds = array<i64: 2, 16>, scalar_prefetch = 0 : i64, scratch_operands = 4 : i64, tpu.core_type = #tpu.core_type<sc_vector_subcore>, window_params = [{transform_indices = #map}, {transform_indices = #map}, {transform_indices = #map1}, {transform_indices = #map1}]} {
    %mul3A = arith.constant 2 : i32
    %mul3A_0 = arith.muli %arg1, %mul3A : i32
    %add3A = arith.addi %mul3A_0, %arg0 : i32
    %jit3A = arith.constant 4 : i32
    %div3A = arith.divsi %add3A, %jit3A : i32
    %sign3A = arith.constant 0 : i32
    %sign3A_1 = arith.cmpi sgt, %add3A, %sign3A : i32
    %sign3A_2 = arith.extui %sign3A_1 : i1 to i32
    %sign3A_3 = arith.constant 0 : i32
    %sign3A_4 = arith.cmpi slt, %add3A, %sign3A_3 : i32
    %sign3A_5 = arith.extui %sign3A_4 : i1 to i32
    %sign3A_6 = arith.subi %sign3A_2, %sign3A_5 : i32
    %sign3A_7 = arith.constant 0 : i32
    %sign3A_8 = arith.cmpi sgt, %jit3A, %sign3A_7 : i32
    %sign3A_9 = arith.extui %sign3A_8 : i1 to i32
    %sign3A_10 = arith.constant 0 : i32
    %sign3A_11 = arith.cmpi slt, %jit3A, %sign3A_10 : i32
    %sign3A_12 = arith.extui %sign3A_11 : i1 to i32
    %sign3A_13 = arith.subi %sign3A_9, %sign3A_12 : i32
    %ne3A = arith.cmpi ne, %sign3A_6, %sign3A_13 : i32
    %rem3A = arith.remsi %add3A, %jit3A : i32
    %ne3A_14 = arith.constant 0 : i32
    %ne3A_15 = arith.cmpi ne, %rem3A, %ne3A_14 : i32
    %and3A = arith.andi %ne3A, %ne3A_15 : i1
    %sub3A = arith.constant 1 : i32
    %sub3A_16 = arith.subi %div3A, %sub3A : i32
    %select_n3A = arith.select %and3A, %sub3A_16, %div3A : i32
    %jit3A_17 = arith.constant 4 : i32
    %eq3A = arith.constant 0 : i32
    %eq3A_18 = arith.cmpi eq, %jit3A_17, %eq3A : i32
    %jit3A_19 = arith.constant 1 : i32
    %select_n3A_20 = arith.select %eq3A_18, %jit3A_19, %jit3A_17 : i32
    %rem3A_21 = arith.remsi %add3A, %select_n3A_20 : i32
    %ne3A_22 = arith.constant 0 : i32
    %ne3A_23 = arith.cmpi ne, %rem3A_21, %ne3A_22 : i32
    %lt3A = arith.constant 0 : i32
    %lt3A_24 = arith.cmpi slt, %rem3A_21, %lt3A : i32
    %lt3A_25 = arith.constant 0 : i32
    %lt3A_26 = arith.cmpi slt, %select_n3A_20, %lt3A_25 : i32
    %ne3A_27 = arith.xori %lt3A_24, %lt3A_26 : i1
    %and3A_28 = arith.andi %ne3A_27, %ne3A_23 : i1
    %add3A_29 = arith.addi %rem3A_21, %select_n3A_20 : i32
    %select_n3A_30 = arith.select %and3A_28, %add3A_29, %rem3A_21 : i32
    %mul3A_31 = arith.constant 16 : i32
    %mul3A_32 = arith.muli %select_n3A_30, %mul3A_31 : i32
    %multiple_of3A = tpu.assume_multiple %mul3A_32, 16 : i32
    "tpu.region"() ({
      %run_scoped3A = tpu.sem_alloc : memref<!tpu.dma_semaphore, #tpu.memory_space<semaphore_mem>>
      tpu.enqueue_dma source(%arg2 : memref<16xi32, #tpu.memory_space<hbm>>) target(%arg6 : memref<16xi32, #tpu.memory_space<vmem>>) target_semaphore(%run_scoped3A : memref<!tpu.dma_semaphore, #tpu.memory_space<semaphore_mem>>)
      tpu.wait_dma2 semaphore(%run_scoped3A : memref<!tpu.dma_semaphore, #tpu.memory_space<semaphore_mem>>) src(%arg2 : memref<16xi32, #tpu.memory_space<hbm>>) dst(%arg6 : memref<16xi32, #tpu.memory_space<vmem>>)
      tpu.yield
    }) : () -> ()
    %get3A = arith.constant 0 : index
    %get3A_33 = tpu.vector_load %arg6[%get3A] {strides = array<i32>} : memref<16xi32, #tpu.memory_space<vmem>>, vector<16xi32>,
    %get3A_34 = vector.shape_cast %get3A_33 : vector<16xi32> to vector<16xi32>
    %slice3A = vector.extract_strided_slice %get3A_34 {offsets = [0], sizes = [1], strides = [1]} : vector<16xi32> to vector<1xi32>
    %squeeze3A = vector.extract %slice3A[0] : i32 from vector<1xi32>
    %slice3A_35 = vector.extract_strided_slice %get3A_34 {offsets = [1], sizes = [1], strides = [1]} : vector<16xi32> to vector<1xi32>
    %squeeze3A_36 = vector.extract %slice3A_35[0] : i32 from vector<1xi32>
    %slice3A_37 = vector.extract_strided_slice %get3A_34 {offsets = [2], sizes = [1], strides = [1]} : vector<16xi32> to vector<1xi32>
    %squeeze3A_38 = vector.extract %slice3A_37[0] : i32 from vector<1xi32>
    %eq3A_39 = arith.cmpi eq, %select_n3A, %squeeze3A_38 : i32
    %convert_element_type3A = arith.extui %eq3A_39 : i1 to i32
    %cond3A = arith.constant 0 : i32
    %cond3A_40 = arith.cmpi ne, %convert_element_type3A, %cond3A : i32
    scf.if %cond3A_40 {
      %jit3A_41 = arith.constant 16 : i32
      %div3A_42 = arith.divsi %squeeze3A_36, %jit3A_41 : i32
      %sign3A_43 = arith.constant 0 : i32
      %sign3A_44 = arith.cmpi sgt, %squeeze3A_36, %sign3A_43 : i32
      %sign3A_45 = arith.extui %sign3A_44 : i1 to i32
      %sign3A_46 = arith.constant 0 : i32
      %sign3A_47 = arith.cmpi slt, %squeeze3A_36, %sign3A_46 : i32
      %sign3A_48 = arith.extui %sign3A_47 : i1 to i32
      %sign3A_49 = arith.subi %sign3A_45, %sign3A_48 : i32
      %sign3A_50 = arith.constant 0 : i32
      %sign3A_51 = arith.cmpi sgt, %jit3A_41, %sign3A_50 : i32
      %sign3A_52 = arith.extui %sign3A_51 : i1 to i32
      %sign3A_53 = arith.constant 0 : i32
      %sign3A_54 = arith.cmpi slt, %jit3A_41, %sign3A_53 : i32
      %sign3A_55 = arith.extui %sign3A_54 : i1 to i32
      %sign3A_56 = arith.subi %sign3A_52, %sign3A_55 : i32
      %ne3A_57 = arith.cmpi ne, %sign3A_49, %sign3A_56 : i32
      %rem3A_58 = arith.remsi %squeeze3A_36, %jit3A_41 : i32
      %ne3A_59 = arith.constant 0 : i32
      %ne3A_60 = arith.cmpi ne, %rem3A_58, %ne3A_59 : i32
      %and3A_61 = arith.andi %ne3A_57, %ne3A_60 : i1
      %sub3A_62 = arith.constant 1 : i32
      %sub3A_63 = arith.subi %div3A_42, %sub3A_62 : i32
      %select_n3A_64 = arith.select %and3A_61, %sub3A_63, %div3A_42 : i32
      %mul3A_65 = arith.constant 16 : i32
      %mul3A_66 = arith.muli %select_n3A_64, %mul3A_65 : i32
      %multiple_of3A_67 = tpu.assume_multiple %mul3A_66, 16 : i32
      %sub3A_68 = arith.subi %squeeze3A_36, %multiple_of3A_67 : i32
      "tpu.region"() ({
        %run_scoped3A = tpu.sem_alloc : memref<!tpu.dma_semaphore, #tpu.memory_space<semaphore_mem>>
        %dma_start3A_1094 = tpu.memref_slice %arg3[%multiple_of3A] : memref<64xf32, #tpu.memory_space<hbm>> -> memref<16xf32, #tpu.memory_space<hbm>>
        %dma_start3A_1095 = tpu.memref_slice %arg3[%multiple_of3A] : memref<64xf32, #tpu.memory_space<hbm>> -> memref<16xf32, #tpu.memory_space<hbm>>
        tpu.enqueue_dma source(%dma_start3A_1095 : memref<16xf32, #tpu.memory_space<hbm>>) target(%arg7 : memref<16xf32, #tpu.memory_space<vmem>>) target_semaphore(%run_scoped3A : memref<!tpu.dma_semaphore, #tpu.memory_space<semaphore_mem>>)
        %dma_wait3A_1096 = tpu.memref_slice %arg3[%multiple_of3A] : memref<64xf32, #tpu.memory_space<hbm>> -> memref<16xf32, #tpu.memory_space<hbm>>
        %dma_wait3A_1097 = tpu.memref_slice %arg3[%multiple_of3A] : memref<64xf32, #tpu.memory_space<hbm>> -> memref<16xf32, #tpu.memory_space<hbm>>
        tpu.wait_dma2 semaphore(%run_scoped3A : memref<!tpu.dma_semaphore, #tpu.memory_space<semaphore_mem>>) src(%dma_wait3A_1097 : memref<16xf32, #tpu.memory_space<hbm>>) dst(%arg7 : memref<16xf32, #tpu.memory_space<vmem>>)
        tpu.yield
      }) : () -> ()
      %add3A_69 = arith.constant 0 : i32
      %add3A_70 = arith.addi %multiple_of3A, %add3A_69 : i32
      %dma_start3A = arith.constant 0 : i32
      %dma_start3A_71 = arith.constant 0 : i32
      %dma_start3A_72 = tpu.memref_slice %arg8[%dma_start3A, %dma_start3A_71] : memref<16x16xf32, #tpu.memory_space<vmem>> -> memref<1x16xf32, #tpu.memory_space<vmem>>
      %dma_start3A_73 = tpu.memref_squeeze %dma_start3A_72 : memref<1x16xf32, #tpu.memory_space<vmem>> -> memref<16xf32, #tpu.memory_space<vmem>>
      %dma_start3A_74 = tpu.memref_slice %arg4[%select_n3A, %add3A_70, %squeeze3A, %multiple_of3A_67] : memref<8x64x256x256xf32, #tpu.memory_space<hbm>> -> memref<1x1x1x16xf32, #tpu.memory_space<hbm>>
      %dma_start3A_75 = tpu.memref_squeeze %dma_start3A_74 : memref<1x1x1x16xf32, #tpu.memory_space<hbm>> -> memref<16xf32, #tpu.memory_space<hbm>>
      %dma_start3A_76 = arith.constant 0 : i32
      %dma_start3A_77 = tpu.memref_slice %arg8[%dma_start3A, %dma_start3A_76] : memref<16x16xf32, #tpu.memory_space<vmem>> -> memref<1x16xf32, #tpu.memory_space<vmem>>
      %dma_start3A_78 = tpu.memref_squeeze %dma_start3A_77 : memref<1x16xf32, #tpu.memory_space<vmem>> -> memref<16xf32, #tpu.memory_space<vmem>>
      %dma_start3A_79 = tpu.memref_slice %arg4[%select_n3A, %add3A_70, %squeeze3A, %multiple_of3A_67] : memref<8x64x256x256xf32, #tpu.memory_space<hbm>> -> memref<1x1x1x16xf32, #tpu.memory_space<hbm>>
      %dma_start3A_80 = tpu.memref_squeeze %dma_start3A_79 : memref<1x1x1x16xf32, #tpu.memory_space<hbm>> -> memref<16xf32, #tpu.memory_space<hbm>>
      tpu.enqueue_dma source(%dma_start3A_80 : memref<16xf32, #tpu.memory_space<hbm>>) target(%dma_start3A_78 : memref<16xf32, #tpu.memory_space<vmem>>) target_semaphore(%arg9 : memref<!tpu.dma_semaphore, #tpu.memory_space<semaphore_mem>>)
      %add3A_81 = arith.constant 1 : i32
      %add3A_82 = arith.addi %multiple_of3A, %add3A_81 : i32
      %dma_start3A_83 = arith.constant 1 : i32
      %dma_start3A_84 = arith.constant 0 : i32
      %dma_start3A_85 = tpu.memref_slice %arg8[%dma_start3A_83, %dma_start3A_84] : memref<16x16xf32, #tpu.memory_space<vmem>> -> memref<1x16xf32, #tpu.memory_space<vmem>>
      %dma_start3A_86 = tpu.memref_squeeze %dma_start3A_85 : memref<1x16xf32, #tpu.memory_space<vmem>> -> memref<16xf32, #tpu.memory_space<vmem>>
      %dma_start3A_87 = tpu.memref_slice %arg4[%select_n3A, %add3A_82, %squeeze3A, %multiple_of3A_67] : memref<8x64x256x256xf32, #tpu.memory_space<hbm>> -> memref<1x1x1x16xf32, #tpu.memory_space<hbm>>
      %dma_start3A_88 = tpu.memref_squeeze %dma_start3A_87 : memref<1x1x1x16xf32, #tpu.memory_space<hbm>> -> memref<16xf32, #tpu.memory_space<hbm>>
      %dma_start3A_89 = arith.constant 0 : i32
      %dma_start3A_90 = tpu.memref_slice %arg8[%dma_start3A_83, %dma_start3A_89] : memref<16x16xf32, #tpu.memory_space<vmem>> -> memref<1x16xf32, #tpu.memory_space<vmem>>
      %dma_start3A_91 = tpu.memref_squeeze %dma_start3A_90 : memref<1x16xf32, #tpu.memory_space<vmem>> -> memref<16xf32, #tpu.memory_space<vmem>>
      %dma_start3A_92 = tpu.memref_slice %arg4[%select_n3A, %add3A_82, %squeeze3A, %multiple_of3A_67] : memref<8x64x256x256xf32, #tpu.memory_space<hbm>> -> memref<1x1x1x16xf32, #tpu.memory_space<hbm>>
      %dma_start3A_93 = tpu.memref_squeeze %dma_start3A_92 : memref<1x1x1x16xf32, #tpu.memory_space<hbm>> -> memref<16xf32, #tpu.memory_space<hbm>>
      tpu.enqueue_dma source(%dma_start3A_93 : memref<16xf32, #tpu.memory_space<hbm>>) target(%dma_start3A_91 : memref<16xf32, #tpu.memory_space<vmem>>) target_semaphore(%arg9 : memref<!tpu.dma_semaphore, #tpu.memory_space<semaphore_mem>>)
      %add3A_94 = arith.constant 2 : i32
      %add3A_95 = arith.addi %multiple_of3A, %add3A_94 : i32
      %dma_start3A_96 = arith.constant 2 : i32
      %dma_start3A_97 = arith.constant 0 : i32
      %dma_start3A_98 = tpu.memref_slice %arg8[%dma_start3A_96, %dma_start3A_97] : memref<16x16xf32, #tpu.memory_space<vmem>> -> memref<1x16xf32, #tpu.memory_space<vmem>>
      %dma_start3A_99 = tpu.memref_squeeze %dma_start3A_98 : memref<1x16xf32, #tpu.memory_space<vmem>> -> memref<16xf32, #tpu.memory_space<vmem>>
      %dma_start3A_100 = tpu.memref_slice %arg4[%select_n3A, %add3A_95, %squeeze3A, %multiple_of3A_67] : memref<8x64x256x256xf32, #tpu.memory_space<hbm>> -> memref<1x1x1x16xf32, #tpu.memory_space<hbm>>
      %dma_start3A_101 = tpu.memref_squeeze %dma_start3A_100 : memref<1x1x1x16xf32, #tpu.memory_space<hbm>> -> memref<16xf32, #tpu.memory_space<hbm>>
      %dma_start3A_102 = arith.constant 0 : i32
      %dma_start3A_103 = tpu.memref_slice %arg8[%dma_start3A_96, %dma_start3A_102] : memref<16x16xf32, #tpu.memory_space<vmem>> -> memref<1x16xf32, #tpu.memory_space<vmem>>
      %dma_start3A_104 = tpu.memref_squeeze %dma_start3A_103 : memref<1x16xf32, #tpu.memory_space<vmem>> -> memref<16xf32, #tpu.memory_space<vmem>>
      %dma_start3A_105 = tpu.memref_slice %arg4[%select_n3A, %add3A_95, %squeeze3A, %multiple_of3A_67] : memref<8x64x256x256xf32, #tpu.memory_space<hbm>> -> memref<1x1x1x16xf32, #tpu.memory_space<hbm>>
      %dma_start3A_106 = tpu.memref_squeeze %dma_start3A_105 : memref<1x1x1x16xf32, #tpu.memory_space<hbm>> -> memref<16xf32, #tpu.memory_space<hbm>>
      tpu.enqueue_dma source(%dma_start3A_106 : memref<16xf32, #tpu.memory_space<hbm>>) target(%dma_start3A_104 : memref<16xf32, #tpu.memory_space<vmem>>) target_semaphore(%arg9 : memref<!tpu.dma_semaphore, #tpu.memory_space<semaphore_mem>>)
      %add3A_107 = arith.constant 3 : i32
      %add3A_108 = arith.addi %multiple_of3A, %add3A_107 : i32
      %dma_start3A_109 = arith.constant 3 : i32
      %dma_start3A_110 = arith.constant 0 : i32
      %dma_start3A_111 = tpu.memref_slice %arg8[%dma_start3A_109, %dma_start3A_110] : memref<16x16xf32, #tpu.memory_space<vmem>> -> memref<1x16xf32, #tpu.memory_space<vmem>>
      %dma_start3A_112 = tpu.memref_squeeze %dma_start3A_111 : memref<1x16xf32, #tpu.memory_space<vmem>> -> memref<16xf32, #tpu.memory_space<vmem>>
      %dma_start3A_113 = tpu.memref_slice %arg4[%select_n3A, %add3A_108, %squeeze3A, %multiple_of3A_67] : memref<8x64x256x256xf32, #tpu.memory_space<hbm>> -> memref<1x1x1x16xf32, #tpu.memory_space<hbm>>
      %dma_start3A_114 = tpu.memref_squeeze %dma_start3A_113 : memref<1x1x1x16xf32, #tpu.memory_space<hbm>> -> memref<16xf32, #tpu.memory_space<hbm>>
      %dma_start3A_115 = arith.constant 0 : i32
      %dma_start3A_116 = tpu.memref_slice %arg8[%dma_start3A_109, %dma_start3A_115] : memref<16x16xf32, #tpu.memory_space<vmem>> -> memref<1x16xf32, #tpu.memory_space<vmem>>
      %dma_start3A_117 = tpu.memref_squeeze %dma_start3A_116 : memref<1x16xf32, #tpu.memory_space<vmem>> -> memref<16xf32, #tpu.memory_space<vmem>>
      %dma_start3A_118 = tpu.memref_slice %arg4[%select_n3A, %add3A_108, %squeeze3A, %multiple_of3A_67] : memref<8x64x256x256xf32, #tpu.memory_space<hbm>> -> memref<1x1x1x16xf32, #tpu.memory_space<hbm>>
      %dma_start3A_119 = tpu.memref_squeeze %dma_start3A_118 : memref<1x1x1x16xf32, #tpu.memory_space<hbm>> -> memref<16xf32, #tpu.memory_space<hbm>>
      tpu.enqueue_dma source(%dma_start3A_119 : memref<16xf32, #tpu.memory_space<hbm>>) target(%dma_start3A_117 : memref<16xf32, #tpu.memory_space<vmem>>) target_semaphore(%arg9 : memref<!tpu.dma_semaphore, #tpu.memory_space<semaphore_mem>>)
      %add3A_120 = arith.constant 4 : i32
      %add3A_121 = arith.addi %multiple_of3A, %add3A_120 : i32
      %dma_start3A_122 = arith.constant 4 : i32
      %dma_start3A_123 = arith.constant 0 : i32
      %dma_start3A_124 = tpu.memref_slice %arg8[%dma_start3A_122, %dma_start3A_123] : memref<16x16xf32, #tpu.memory_space<vmem>> -> memref<1x16xf32, #tpu.memory_space<vmem>>
      %dma_start3A_125 = tpu.memref_squeeze %dma_start3A_124 : memref<1x16xf32, #tpu.memory_space<vmem>> -> memref<16xf32, #tpu.memory_space<vmem>>
      %dma_start3A_126 = tpu.memref_slice %arg4[%select_n3A, %add3A_121, %squeeze3A, %multiple_of3A_67] : memref<8x64x256x256xf32, #tpu.memory_space<hbm>> -> memref<1x1x1x16xf32, #tpu.memory_space<hbm>>
      %dma_start3A_127 = tpu.memref_squeeze %dma_start3A_126 : memref<1x1x1x16xf32, #tpu.memory_space<hbm>> -> memref<16xf32, #tpu.memory_space<hbm>>
      %dma_start3A_128 = arith.constant 0 : i32
      %dma_start3A_129 = tpu.memref_slice %arg8[%dma_start3A_122, %dma_start3A_128] : memref<16x16xf32, #tpu.memory_space<vmem>> -> memref<1x16xf32, #tpu.memory_space<vmem>>
      %dma_start3A_130 = tpu.memref_squeeze %dma_start3A_129 : memref<1x16xf32, #tpu.memory_space<vmem>> -> memref<16xf32, #tpu.memory_space<vmem>>
      %dma_start3A_131 = tpu.memref_slice %arg4[%select_n3A, %add3A_121, %squeeze3A, %multiple_of3A_67] : memref<8x64x256x256xf32, #tpu.memory_space<hbm>> -> memref<1x1x1x16xf32, #tpu.memory_space<hbm>>
      %dma_start3A_132 = tpu.memref_squeeze %dma_start3A_131 : memref<1x1x1x16xf32, #tpu.memory_space<hbm>> -> memref<16xf32, #tpu.memory_space<hbm>>
      tpu.enqueue_dma source(%dma_start3A_132 : memref<16xf32, #tpu.memory_space<hbm>>) target(%dma_start3A_130 : memref<16xf32, #tpu.memory_space<vmem>>) target_semaphore(%arg9 : memref<!tpu.dma_semaphore, #tpu.memory_space<semaphore_mem>>)
      %add3A_133 = arith.constant 5 : i32
      %add3A_134 = arith.addi %multiple_of3A, %add3A_133 : i32
      %dma_start3A_135 = arith.constant 5 : i32
      %dma_start3A_136 = arith.constant 0 : i32
      %dma_start3A_137 = tpu.memref_slice %arg8[%dma_start3A_135, %dma_start3A_136] : memref<16x16xf32, #tpu.memory_space<vmem>> -> memref<1x16xf32, #tpu.memory_space<vmem>>
      %dma_start3A_138 = tpu.memref_squeeze %dma_start3A_137 : memref<1x16xf32, #tpu.memory_space<vmem>> -> memref<16xf32, #tpu.memory_space<vmem>>
      %dma_start3A_139 = tpu.memref_slice %arg4[%select_n3A, %add3A_134, %squeeze3A, %multiple_of3A_67] : memref<8x64x256x256xf32, #tpu.memory_space<hbm>> -> memref<1x1x1x16xf32, #tpu.memory_space<hbm>>
      %dma_start3A_140 = tpu.memref_squeeze %dma_start3A_139 : memref<1x1x1x16xf32, #tpu.memory_space<hbm>> -> memref<16xf32, #tpu.memory_space<hbm>>
      %dma_start3A_141 = arith.constant 0 : i32
      %dma_start3A_142 = tpu.memref_slice %arg8[%dma_start3A_135, %dma_start3A_141] : memref<16x16xf32, #tpu.memory_space<vmem>> -> memref<1x16xf32, #tpu.memory_space<vmem>>
      %dma_start3A_143 = tpu.memref_squeeze %dma_start3A_142 : memref<1x16xf32, #tpu.memory_space<vmem>> -> memref<16xf32, #tpu.memory_space<vmem>>
      %dma_start3A_144 = tpu.memref_slice %arg4[%select_n3A, %add3A_134, %squeeze3A, %multiple_of3A_67] : memref<8x64x256x256xf32, #tpu.memory_space<hbm>> -> memref<1x1x1x16xf32, #tpu.memory_space<hbm>>
      %dma_start3A_145 = tpu.memref_squeeze %dma_start3A_144 : memref<1x1x1x16xf32, #tpu.memory_space<hbm>> -> memref<16xf32, #tpu.memory_space<hbm>>
      tpu.enqueue_dma source(%dma_start3A_145 : memref<16xf32, #tpu.memory_space<hbm>>) target(%dma_start3A_143 : memref<16xf32, #tpu.memory_space<vmem>>) target_semaphore(%arg9 : memref<!tpu.dma_semaphore, #tpu.memory_space<semaphore_mem>>)
      %add3A_146 = arith.constant 6 : i32
      %add3A_147 = arith.addi %multiple_of3A, %add3A_146 : i32
      %dma_start3A_148 = arith.constant 6 : i32
      %dma_start3A_149 = arith.constant 0 : i32
      %dma_start3A_150 = tpu.memref_slice %arg8[%dma_start3A_148, %dma_start3A_149] : memref<16x16xf32, #tpu.memory_space<vmem>> -> memref<1x16xf32, #tpu.memory_space<vmem>>
      %dma_start3A_151 = tpu.memref_squeeze %dma_start3A_150 : memref<1x16xf32, #tpu.memory_space<vmem>> -> memref<16xf32, #tpu.memory_space<vmem>>
      %dma_start3A_152 = tpu.memref_slice %arg4[%select_n3A, %add3A_147, %squeeze3A, %multiple_of3A_67] : memref<8x64x256x256xf32, #tpu.memory_space<hbm>> -> memref<1x1x1x16xf32, #tpu.memory_space<hbm>>
      %dma_start3A_153 = tpu.memref_squeeze %dma_start3A_152 : memref<1x1x1x16xf32, #tpu.memory_space<hbm>> -> memref<16xf32, #tpu.memory_space<hbm>>
      %dma_start3A_154 = arith.constant 0 : i32
      %dma_start3A_155 = tpu.memref_slice %arg8[%dma_start3A_148, %dma_start3A_154] : memref<16x16xf32, #tpu.memory_space<vmem>> -> memref<1x16xf32, #tpu.memory_space<vmem>>
      %dma_start3A_156 = tpu.memref_squeeze %dma_start3A_155 : memref<1x16xf32, #tpu.memory_space<vmem>> -> memref<16xf32, #tpu.memory_space<vmem>>
      %dma_start3A_157 = tpu.memref_slice %arg4[%select_n3A, %add3A_147, %squeeze3A, %multiple_of3A_67] : memref<8x64x256x256xf32, #tpu.memory_space<hbm>> -> memref<1x1x1x16xf32, #tpu.memory_space<hbm>>
      %dma_start3A_158 = tpu.memref_squeeze %dma_start3A_157 : memref<1x1x1x16xf32, #tpu.memory_space<hbm>> -> memref<16xf32, #tpu.memory_space<hbm>>
      tpu.enqueue_dma source(%dma_start3A_158 : memref<16xf32, #tpu.memory_space<hbm>>) target(%dma_start3A_156 : memref<16xf32, #tpu.memory_space<vmem>>) target_semaphore(%arg9 : memref<!tpu.dma_semaphore, #tpu.memory_space<semaphore_mem>>)
      %add3A_159 = arith.constant 7 : i32
      %add3A_160 = arith.addi %multiple_of3A, %add3A_159 : i32
      %dma_start3A_161 = arith.constant 7 : i32
      %dma_start3A_162 = arith.constant 0 : i32
      %dma_start3A_163 = tpu.memref_slice %arg8[%dma_start3A_161, %dma_start3A_162] : memref<16x16xf32, #tpu.memory_space<vmem>> -> memref<1x16xf32, #tpu.memory_space<vmem>>
      %dma_start3A_164 = tpu.memref_squeeze %dma_start3A_163 : memref<1x16xf32, #tpu.memory_space<vmem>> -> memref<16xf32, #tpu.memory_space<vmem>>
      %dma_start3A_165 = tpu.memref_slice %arg4[%select_n3A, %add3A_160, %squeeze3A, %multiple_of3A_67] : memref<8x64x256x256xf32, #tpu.memory_space<hbm>> -> memref<1x1x1x16xf32, #tpu.memory_space<hbm>>
      %dma_start3A_166 = tpu.memref_squeeze %dma_start3A_165 : memref<1x1x1x16xf32, #tpu.memory_space<hbm>> -> memref<16xf32, #tpu.memory_space<hbm>>
      %dma_start3A_167 = arith.constant 0 : i32
      %dma_start3A_168 = tpu.memref_slice %arg8[%dma_start3A_161, %dma_start3A_167] : memref<16x16xf32, #tpu.memory_space<vmem>> -> memref<1x16xf32, #tpu.memory_space<vmem>>
      %dma_start3A_169 = tpu.memref_squeeze %dma_start3A_168 : memref<1x16xf32, #tpu.memory_space<vmem>> -> memref<16xf32, #tpu.memory_space<vmem>>
      %dma_start3A_170 = tpu.memref_slice %arg4[%select_n3A, %add3A_160, %squeeze3A, %multiple_of3A_67] : memref<8x64x256x256xf32, #tpu.memory_space<hbm>> -> memref<1x1x1x16xf32, #tpu.memory_space<hbm>>
      %dma_start3A_171 = tpu.memref_squeeze %dma_start3A_170 : memref<1x1x1x16xf32, #tpu.memory_space<hbm>> -> memref<16xf32, #tpu.memory_space<hbm>>
      tpu.enqueue_dma source(%dma_start3A_171 : memref<16xf32, #tpu.memory_space<hbm>>) target(%dma_start3A_169 : memref<16xf32, #tpu.memory_space<vmem>>) target_semaphore(%arg9 : memref<!tpu.dma_semaphore, #tpu.memory_space<semaphore_mem>>)
      %add3A_172 = arith.constant 8 : i32
      %add3A_173 = arith.addi %multiple_of3A, %add3A_172 : i32
      %dma_start3A_174 = arith.constant 8 : i32
      %dma_start3A_175 = arith.constant 0 : i32
      %dma_start3A_176 = tpu.memref_slice %arg8[%dma_start3A_174, %dma_start3A_175] : memref<16x16xf32, #tpu.memory_space<vmem>> -> memref<1x16xf32, #tpu.memory_space<vmem>>
      %dma_start3A_177 = tpu.memref_squeeze %dma_start3A_176 : memref<1x16xf32, #tpu.memory_space<vmem>> -> memref<16xf32, #tpu.memory_space<vmem>>
      %dma_start3A_178 = tpu.memref_slice %arg4[%select_n3A, %add3A_173, %squeeze3A, %multiple_of3A_67] : memref<8x64x256x256xf32, #tpu.memory_space<hbm>> -> memref<1x1x1x16xf32, #tpu.memory_space<hbm>>
      %dma_start3A_179 = tpu.memref_squeeze %dma_start3A_178 : memref<1x1x1x16xf32, #tpu.memory_space<hbm>> -> memref<16xf32, #tpu.memory_space<hbm>>
      %dma_start3A_180 = arith.constant 0 : i32
      %dma_start3A_181 = tpu.memref_slice %arg8[%dma_start3A_174, %dma_start3A_180] : memref<16x16xf32, #tpu.memory_space<vmem>> -> memref<1x16xf32, #tpu.memory_space<vmem>>
      %dma_start3A_182 = tpu.memref_squeeze %dma_start3A_181 : memref<1x16xf32, #tpu.memory_space<vmem>> -> memref<16xf32, #tpu.memory_space<vmem>>
      %dma_start3A_183 = tpu.memref_slice %arg4[%select_n3A, %add3A_173, %squeeze3A, %multiple_of3A_67] : memref<8x64x256x256xf32, #tpu.memory_space<hbm>> -> memref<1x1x1x16xf32, #tpu.memory_space<hbm>>
      %dma_start3A_184 = tpu.memref_squeeze %dma_start3A_183 : memref<1x1x1x16xf32, #tpu.memory_space<hbm>> -> memref<16xf32, #tpu.memory_space<hbm>>
      tpu.enqueue_dma source(%dma_start3A_184 : memref<16xf32, #tpu.memory_space<hbm>>) target(%dma_start3A_182 : memref<16xf32, #tpu.memory_space<vmem>>) target_semaphore(%arg9 : memref<!tpu.dma_semaphore, #tpu.memory_space<semaphore_mem>>)
      %add3A_185 = arith.constant 9 : i32
      %add3A_186 = arith.addi %multiple_of3A, %add3A_185 : i32
      %dma_start3A_187 = arith.constant 9 : i32
      %dma_start3A_188 = arith.constant 0 : i32
      %dma_start3A_189 = tpu.memref_slice %arg8[%dma_start3A_187, %dma_start3A_188] : memref<16x16xf32, #tpu.memory_space<vmem>> -> memref<1x16xf32, #tpu.memory_space<vmem>>
      %dma_start3A_190 = tpu.memref_squeeze %dma_start3A_189 : memref<1x16xf32, #tpu.memory_space<vmem>> -> memref<16xf32, #tpu.memory_space<vmem>>
      %dma_start3A_191 = tpu.memref_slice %arg4[%select_n3A, %add3A_186, %squeeze3A, %multiple_of3A_67] : memref<8x64x256x256xf32, #tpu.memory_space<hbm>> -> memref<1x1x1x16xf32, #tpu.memory_space<hbm>>
      %dma_start3A_192 = tpu.memref_squeeze %dma_start3A_191 : memref<1x1x1x16xf32, #tpu.memory_space<hbm>> -> memref<16xf32, #tpu.memory_space<hbm>>
      %dma_start3A_193 = arith.constant 0 : i32
      %dma_start3A_194 = tpu.memref_slice %arg8[%dma_start3A_187, %dma_start3A_193] : memref<16x16xf32, #tpu.memory_space<vmem>> -> memref<1x16xf32, #tpu.memory_space<vmem>>
      %dma_start3A_195 = tpu.memref_squeeze %dma_start3A_194 : memref<1x16xf32, #tpu.memory_space<vmem>> -> memref<16xf32, #tpu.memory_space<vmem>>
      %dma_start3A_196 = tpu.memref_slice %arg4[%select_n3A, %add3A_186, %squeeze3A, %multiple_of3A_67] : memref<8x64x256x256xf32, #tpu.memory_space<hbm>> -> memref<1x1x1x16xf32, #tpu.memory_space<hbm>>
      %dma_start3A_197 = tpu.memref_squeeze %dma_start3A_196 : memref<1x1x1x16xf32, #tpu.memory_space<hbm>> -> memref<16xf32, #tpu.memory_space<hbm>>
      tpu.enqueue_dma source(%dma_start3A_197 : memref<16xf32, #tpu.memory_space<hbm>>) target(%dma_start3A_195 : memref<16xf32, #tpu.memory_space<vmem>>) target_semaphore(%arg9 : memref<!tpu.dma_semaphore, #tpu.memory_space<semaphore_mem>>)
      %add3A_198 = arith.constant 10 : i32
      %add3A_199 = arith.addi %multiple_of3A, %add3A_198 : i32
      %dma_start3A_200 = arith.constant 10 : i32
      %dma_start3A_201 = arith.constant 0 : i32
      %dma_start3A_202 = tpu.memref_slice %arg8[%dma_start3A_200, %dma_start3A_201] : memref<16x16xf32, #tpu.memory_space<vmem>> -> memref<1x16xf32, #tpu.memory_space<vmem>>
      %dma_start3A_203 = tpu.memref_squeeze %dma_start3A_202 : memref<1x16xf32, #tpu.memory_space<vmem>> -> memref<16xf32, #tpu.memory_space<vmem>>
      %dma_start3A_204 = tpu.memref_slice %arg4[%select_n3A, %add3A_199, %squeeze3A, %multiple_of3A_67] : memref<8x64x256x256xf32, #tpu.memory_space<hbm>> -> memref<1x1x1x16xf32, #tpu.memory_space<hbm>>
      %dma_start3A_205 = tpu.memref_squeeze %dma_start3A_204 : memref<1x1x1x16xf32, #tpu.memory_space<hbm>> -> memref<16xf32, #tpu.memory_space<hbm>>
      %dma_start3A_206 = arith.constant 0 : i32
      %dma_start3A_207 = tpu.memref_slice %arg8[%dma_start3A_200, %dma_start3A_206] : memref<16x16xf32, #tpu.memory_space<vmem>> -> memref<1x16xf32, #tpu.memory_space<vmem>>
      %dma_start3A_208 = tpu.memref_squeeze %dma_start3A_207 : memref<1x16xf32, #tpu.memory_space<vmem>> -> memref<16xf32, #tpu.memory_space<vmem>>
      %dma_start3A_209 = tpu.memref_slice %arg4[%select_n3A, %add3A_199, %squeeze3A, %multiple_of3A_67] : memref<8x64x256x256xf32, #tpu.memory_space<hbm>> -> memref<1x1x1x16xf32, #tpu.memory_space<hbm>>
      %dma_start3A_210 = tpu.memref_squeeze %dma_start3A_209 : memref<1x1x1x16xf32, #tpu.memory_space<hbm>> -> memref<16xf32, #tpu.memory_space<hbm>>
      tpu.enqueue_dma source(%dma_start3A_210 : memref<16xf32, #tpu.memory_space<hbm>>) target(%dma_start3A_208 : memref<16xf32, #tpu.memory_space<vmem>>) target_semaphore(%arg9 : memref<!tpu.dma_semaphore, #tpu.memory_space<semaphore_mem>>)
      %add3A_211 = arith.constant 11 : i32
      %add3A_212 = arith.addi %multiple_of3A, %add3A_211 : i32
      %dma_start3A_213 = arith.constant 11 : i32
      %dma_start3A_214 = arith.constant 0 : i32
      %dma_start3A_215 = tpu.memref_slice %arg8[%dma_start3A_213, %dma_start3A_214] : memref<16x16xf32, #tpu.memory_space<vmem>> -> memref<1x16xf32, #tpu.memory_space<vmem>>
      %dma_start3A_216 = tpu.memref_squeeze %dma_start3A_215 : memref<1x16xf32, #tpu.memory_space<vmem>> -> memref<16xf32, #tpu.memory_space<vmem>>
      %dma_start3A_217 = tpu.memref_slice %arg4[%select_n3A, %add3A_212, %squeeze3A, %multiple_of3A_67] : memref<8x64x256x256xf32, #tpu.memory_space<hbm>> -> memref<1x1x1x16xf32, #tpu.memory_space<hbm>>
      %dma_start3A_218 = tpu.memref_squeeze %dma_start3A_217 : memref<1x1x1x16xf32, #tpu.memory_space<hbm>> -> memref<16xf32, #tpu.memory_space<hbm>>
      %dma_start3A_219 = arith.constant 0 : i32
      %dma_start3A_220 = tpu.memref_slice %arg8[%dma_start3A_213, %dma_start3A_219] : memref<16x16xf32, #tpu.memory_space<vmem>> -> memref<1x16xf32, #tpu.memory_space<vmem>>
      %dma_start3A_221 = tpu.memref_squeeze %dma_start3A_220 : memref<1x16xf32, #tpu.memory_space<vmem>> -> memref<16xf32, #tpu.memory_space<vmem>>
      %dma_start3A_222 = tpu.memref_slice %arg4[%select_n3A, %add3A_212, %squeeze3A, %multiple_of3A_67] : memref<8x64x256x256xf32, #tpu.memory_space<hbm>> -> memref<1x1x1x16xf32, #tpu.memory_space<hbm>>
      %dma_start3A_223 = tpu.memref_squeeze %dma_start3A_222 : memref<1x1x1x16xf32, #tpu.memory_space<hbm>> -> memref<16xf32, #tpu.memory_space<hbm>>
      tpu.enqueue_dma source(%dma_start3A_223 : memref<16xf32, #tpu.memory_space<hbm>>) target(%dma_start3A_221 : memref<16xf32, #tpu.memory_space<vmem>>) target_semaphore(%arg9 : memref<!tpu.dma_semaphore, #tpu.memory_space<semaphore_mem>>)
      %add3A_224 = arith.constant 12 : i32
      %add3A_225 = arith.addi %multiple_of3A, %add3A_224 : i32
      %dma_start3A_226 = arith.constant 12 : i32
      %dma_start3A_227 = arith.constant 0 : i32
      %dma_start3A_228 = tpu.memref_slice %arg8[%dma_start3A_226, %dma_start3A_227] : memref<16x16xf32, #tpu.memory_space<vmem>> -> memref<1x16xf32, #tpu.memory_space<vmem>>
      %dma_start3A_229 = tpu.memref_squeeze %dma_start3A_228 : memref<1x16xf32, #tpu.memory_space<vmem>> -> memref<16xf32, #tpu.memory_space<vmem>>
      %dma_start3A_230 = tpu.memref_slice %arg4[%select_n3A, %add3A_225, %squeeze3A, %multiple_of3A_67] : memref<8x64x256x256xf32, #tpu.memory_space<hbm>> -> memref<1x1x1x16xf32, #tpu.memory_space<hbm>>
      %dma_start3A_231 = tpu.memref_squeeze %dma_start3A_230 : memref<1x1x1x16xf32, #tpu.memory_space<hbm>> -> memref<16xf32, #tpu.memory_space<hbm>>
      %dma_start3A_232 = arith.constant 0 : i32
      %dma_start3A_233 = tpu.memref_slice %arg8[%dma_start3A_226, %dma_start3A_232] : memref<16x16xf32, #tpu.memory_space<vmem>> -> memref<1x16xf32, #tpu.memory_space<vmem>>
      %dma_start3A_234 = tpu.memref_squeeze %dma_start3A_233 : memref<1x16xf32, #tpu.memory_space<vmem>> -> memref<16xf32, #tpu.memory_space<vmem>>
      %dma_start3A_235 = tpu.memref_slice %arg4[%select_n3A, %add3A_225, %squeeze3A, %multiple_of3A_67] : memref<8x64x256x256xf32, #tpu.memory_space<hbm>> -> memref<1x1x1x16xf32, #tpu.memory_space<hbm>>
      %dma_start3A_236 = tpu.memref_squeeze %dma_start3A_235 : memref<1x1x1x16xf32, #tpu.memory_space<hbm>> -> memref<16xf32, #tpu.memory_space<hbm>>
      tpu.enqueue_dma source(%dma_start3A_236 : memref<16xf32, #tpu.memory_space<hbm>>) target(%dma_start3A_234 : memref<16xf32, #tpu.memory_space<vmem>>) target_semaphore(%arg9 : memref<!tpu.dma_semaphore, #tpu.memory_space<semaphore_mem>>)
      %add3A_237 = arith.constant 13 : i32
      %add3A_238 = arith.addi %multiple_of3A, %add3A_237 : i32
      %dma_start3A_239 = arith.constant 13 : i32
      %dma_start3A_240 = arith.constant 0 : i32
      %dma_start3A_241 = tpu.memref_slice %arg8[%dma_start3A_239, %dma_start3A_240] : memref<16x16xf32, #tpu.memory_space<vmem>> -> memref<1x16xf32, #tpu.memory_space<vmem>>
      %dma_start3A_242 = tpu.memref_squeeze %dma_start3A_241 : memref<1x16xf32, #tpu.memory_space<vmem>> -> memref<16xf32, #tpu.memory_space<vmem>>
      %dma_start3A_243 = tpu.memref_slice %arg4[%select_n3A, %add3A_238, %squeeze3A, %multiple_of3A_67] : memref<8x64x256x256xf32, #tpu.memory_space<hbm>> -> memref<1x1x1x16xf32, #tpu.memory_space<hbm>>
      %dma_start3A_244 = tpu.memref_squeeze %dma_start3A_243 : memref<1x1x1x16xf32, #tpu.memory_space<hbm>> -> memref<16xf32, #tpu.memory_space<hbm>>
      %dma_start3A_245 = arith.constant 0 : i32
      %dma_start3A_246 = tpu.memref_slice %arg8[%dma_start3A_239, %dma_start3A_245] : memref<16x16xf32, #tpu.memory_space<vmem>> -> memref<1x16xf32, #tpu.memory_space<vmem>>
      %dma_start3A_247 = tpu.memref_squeeze %dma_start3A_246 : memref<1x16xf32, #tpu.memory_space<vmem>> -> memref<16xf32, #tpu.memory_space<vmem>>
      %dma_start3A_248 = tpu.memref_slice %arg4[%select_n3A, %add3A_238, %squeeze3A, %multiple_of3A_67] : memref<8x64x256x256xf32, #tpu.memory_space<hbm>> -> memref<1x1x1x16xf32, #tpu.memory_space<hbm>>
      %dma_start3A_249 = tpu.memref_squeeze %dma_start3A_248 : memref<1x1x1x16xf32, #tpu.memory_space<hbm>> -> memref<16xf32, #tpu.memory_space<hbm>>
      tpu.enqueue_dma source(%dma_start3A_249 : memref<16xf32, #tpu.memory_space<hbm>>) target(%dma_start3A_247 : memref<16xf32, #tpu.memory_space<vmem>>) target_semaphore(%arg9 : memref<!tpu.dma_semaphore, #tpu.memory_space<semaphore_mem>>)
      %add3A_250 = arith.constant 14 : i32
      %add3A_251 = arith.addi %multiple_of3A, %add3A_250 : i32
      %dma_start3A_252 = arith.constant 14 : i32
      %dma_start3A_253 = arith.constant 0 : i32
      %dma_start3A_254 = tpu.memref_slice %arg8[%dma_start3A_252, %dma_start3A_253] : memref<16x16xf32, #tpu.memory_space<vmem>> -> memref<1x16xf32, #tpu.memory_space<vmem>>
      %dma_start3A_255 = tpu.memref_squeeze %dma_start3A_254 : memref<1x16xf32, #tpu.memory_space<vmem>> -> memref<16xf32, #tpu.memory_space<vmem>>
      %dma_start3A_256 = tpu.memref_slice %arg4[%select_n3A, %add3A_251, %squeeze3A, %multiple_of3A_67] : memref<8x64x256x256xf32, #tpu.memory_space<hbm>> -> memref<1x1x1x16xf32, #tpu.memory_space<hbm>>
      %dma_start3A_257 = tpu.memref_squeeze %dma_start3A_256 : memref<1x1x1x16xf32, #tpu.memory_space<hbm>> -> memref<16xf32, #tpu.memory_space<hbm>>
      %dma_start3A_258 = arith.constant 0 : i32
      %dma_start3A_259 = tpu.memref_slice %arg8[%dma_start3A_252, %dma_start3A_258] : memref<16x16xf32, #tpu.memory_space<vmem>> -> memref<1x16xf32, #tpu.memory_space<vmem>>
      %dma_start3A_260 = tpu.memref_squeeze %dma_start3A_259 : memref<1x16xf32, #tpu.memory_space<vmem>> -> memref<16xf32, #tpu.memory_space<vmem>>
      %dma_start3A_261 = tpu.memref_slice %arg4[%select_n3A, %add3A_251, %squeeze3A, %multiple_of3A_67] : memref<8x64x256x256xf32, #tpu.memory_space<hbm>> -> memref<1x1x1x16xf32, #tpu.memory_space<hbm>>
      %dma_start3A_262 = tpu.memref_squeeze %dma_start3A_261 : memref<1x1x1x16xf32, #tpu.memory_space<hbm>> -> memref<16xf32, #tpu.memory_space<hbm>>
      tpu.enqueue_dma source(%dma_start3A_262 : memref<16xf32, #tpu.memory_space<hbm>>) target(%dma_start3A_260 : memref<16xf32, #tpu.memory_space<vmem>>) target_semaphore(%arg9 : memref<!tpu.dma_semaphore, #tpu.memory_space<semaphore_mem>>)
      %add3A_263 = arith.constant 15 : i32
      %add3A_264 = arith.addi %multiple_of3A, %add3A_263 : i32
      %dma_start3A_265 = arith.constant 15 : i32
      %dma_start3A_266 = arith.constant 0 : i32
      %dma_start3A_267 = tpu.memref_slice %arg8[%dma_start3A_265, %dma_start3A_266] : memref<16x16xf32, #tpu.memory_space<vmem>> -> memref<1x16xf32, #tpu.memory_space<vmem>>
      %dma_start3A_268 = tpu.memref_squeeze %dma_start3A_267 : memref<1x16xf32, #tpu.memory_space<vmem>> -> memref<16xf32, #tpu.memory_space<vmem>>
      %dma_start3A_269 = tpu.memref_slice %arg4[%select_n3A, %add3A_264, %squeeze3A, %multiple_of3A_67] : memref<8x64x256x256xf32, #tpu.memory_space<hbm>> -> memref<1x1x1x16xf32, #tpu.memory_space<hbm>>
      %dma_start3A_270 = tpu.memref_squeeze %dma_start3A_269 : memref<1x1x1x16xf32, #tpu.memory_space<hbm>> -> memref<16xf32, #tpu.memory_space<hbm>>
      %dma_start3A_271 = arith.constant 0 : i32
      %dma_start3A_272 = tpu.memref_slice %arg8[%dma_start3A_265, %dma_start3A_271] : memref<16x16xf32, #tpu.memory_space<vmem>> -> memref<1x16xf32, #tpu.memory_space<vmem>>
      %dma_start3A_273 = tpu.memref_squeeze %dma_start3A_272 : memref<1x16xf32, #tpu.memory_space<vmem>> -> memref<16xf32, #tpu.memory_space<vmem>>
      %dma_start3A_274 = tpu.memref_slice %arg4[%select_n3A, %add3A_264, %squeeze3A, %multiple_of3A_67] : memref<8x64x256x256xf32, #tpu.memory_space<hbm>> -> memref<1x1x1x16xf32, #tpu.memory_space<hbm>>
      %dma_start3A_275 = tpu.memref_squeeze %dma_start3A_274 : memref<1x1x1x16xf32, #tpu.memory_space<hbm>> -> memref<16xf32, #tpu.memory_space<hbm>>
      tpu.enqueue_dma source(%dma_start3A_275 : memref<16xf32, #tpu.memory_space<hbm>>) target(%dma_start3A_273 : memref<16xf32, #tpu.memory_space<vmem>>) target_semaphore(%arg9 : memref<!tpu.dma_semaphore, #tpu.memory_space<semaphore_mem>>)
      %dma_wait3A = arith.constant 0 : i32
      %dma_wait3A_276 = arith.constant 0 : i32
      %dma_wait3A_277 = tpu.memref_slice %arg8[%dma_wait3A, %dma_wait3A_276] : memref<16x16xf32, #tpu.memory_space<vmem>> -> memref<1x16xf32, #tpu.memory_space<vmem>>
      %dma_wait3A_278 = tpu.memref_squeeze %dma_wait3A_277 : memref<1x16xf32, #tpu.memory_space<vmem>> -> memref<16xf32, #tpu.memory_space<vmem>>
      %dma_wait3A_279 = tpu.memref_slice %arg4[%select_n3A, %add3A_70, %squeeze3A, %multiple_of3A_67] : memref<8x64x256x256xf32, #tpu.memory_space<hbm>> -> memref<1x1x1x16xf32, #tpu.memory_space<hbm>>
      %dma_wait3A_280 = tpu.memref_squeeze %dma_wait3A_279 : memref<1x1x1x16xf32, #tpu.memory_space<hbm>> -> memref<16xf32, #tpu.memory_space<hbm>>
      %dma_wait3A_281 = arith.constant 0 : i32
      %dma_wait3A_282 = tpu.memref_slice %arg8[%dma_wait3A, %dma_wait3A_281] : memref<16x16xf32, #tpu.memory_space<vmem>> -> memref<1x16xf32, #tpu.memory_space<vmem>>
      %dma_wait3A_283 = tpu.memref_squeeze %dma_wait3A_282 : memref<1x16xf32, #tpu.memory_space<vmem>> -> memref<16xf32, #tpu.memory_space<vmem>>
      %dma_wait3A_284 = tpu.memref_slice %arg4[%select_n3A, %add3A_70, %squeeze3A, %multiple_of3A_67] : memref<8x64x256x256xf32, #tpu.memory_space<hbm>> -> memref<1x1x1x16xf32, #tpu.memory_space<hbm>>
      %dma_wait3A_285 = tpu.memref_squeeze %dma_wait3A_284 : memref<1x1x1x16xf32, #tpu.memory_space<hbm>> -> memref<16xf32, #tpu.memory_space<hbm>>
      tpu.wait_dma2 semaphore(%arg9 : memref<!tpu.dma_semaphore, #tpu.memory_space<semaphore_mem>>) src(%dma_wait3A_285 : memref<16xf32, #tpu.memory_space<hbm>>) dst(%dma_wait3A_283 : memref<16xf32, #tpu.memory_space<vmem>>)
      %dma_wait3A_286 = arith.constant 1 : i32
      %dma_wait3A_287 = arith.constant 0 : i32
      %dma_wait3A_288 = tpu.memref_slice %arg8[%dma_wait3A_286, %dma_wait3A_287] : memref<16x16xf32, #tpu.memory_space<vmem>> -> memref<1x16xf32, #tpu.memory_space<vmem>>
      %dma_wait3A_289 = tpu.memref_squeeze %dma_wait3A_288 : memref<1x16xf32, #tpu.memory_space<vmem>> -> memref<16xf32, #tpu.memory_space<vmem>>
      %dma_wait3A_290 = tpu.memref_slice %arg4[%select_n3A, %add3A_82, %squeeze3A, %multiple_of3A_67] : memref<8x64x256x256xf32, #tpu.memory_space<hbm>> -> memref<1x1x1x16xf32, #tpu.memory_space<hbm>>
      %dma_wait3A_291 = tpu.memref_squeeze %dma_wait3A_290 : memref<1x1x1x16xf32, #tpu.memory_space<hbm>> -> memref<16xf32, #tpu.memory_space<hbm>>
      %dma_wait3A_292 = arith.constant 0 : i32
      %dma_wait3A_293 = tpu.memref_slice %arg8[%dma_wait3A_286, %dma_wait3A_292] : memref<16x16xf32, #tpu.memory_space<vmem>> -> memref<1x16xf32, #tpu.memory_space<vmem>>
      %dma_wait3A_294 = tpu.memref_squeeze %dma_wait3A_293 : memref<1x16xf32, #tpu.memory_space<vmem>> -> memref<16xf32, #tpu.memory_space<vmem>>
      %dma_wait3A_295 = tpu.memref_slice %arg4[%select_n3A, %add3A_82, %squeeze3A, %multiple_of3A_67] : memref<8x64x256x256xf32, #tpu.memory_space<hbm>> -> memref<1x1x1x16xf32, #tpu.memory_space<hbm>>
      %dma_wait3A_296 = tpu.memref_squeeze %dma_wait3A_295 : memref<1x1x1x16xf32, #tpu.memory_space<hbm>> -> memref<16xf32, #tpu.memory_space<hbm>>
      tpu.wait_dma2 semaphore(%arg9 : memref<!tpu.dma_semaphore, #tpu.memory_space<semaphore_mem>>) src(%dma_wait3A_296 : memref<16xf32, #tpu.memory_space<hbm>>) dst(%dma_wait3A_294 : memref<16xf32, #tpu.memory_space<vmem>>)
      %dma_wait3A_297 = arith.constant 2 : i32
      %dma_wait3A_298 = arith.constant 0 : i32
      %dma_wait3A_299 = tpu.memref_slice %arg8[%dma_wait3A_297, %dma_wait3A_298] : memref<16x16xf32, #tpu.memory_space<vmem>> -> memref<1x16xf32, #tpu.memory_space<vmem>>
      %dma_wait3A_300 = tpu.memref_squeeze %dma_wait3A_299 : memref<1x16xf32, #tpu.memory_space<vmem>> -> memref<16xf32, #tpu.memory_space<vmem>>
      %dma_wait3A_301 = tpu.memref_slice %arg4[%select_n3A, %add3A_95, %squeeze3A, %multiple_of3A_67] : memref<8x64x256x256xf32, #tpu.memory_space<hbm>> -> memref<1x1x1x16xf32, #tpu.memory_space<hbm>>
      %dma_wait3A_302 = tpu.memref_squeeze %dma_wait3A_301 : memref<1x1x1x16xf32, #tpu.memory_space<hbm>> -> memref<16xf32, #tpu.memory_space<hbm>>
      %dma_wait3A_303 = arith.constant 0 : i32
      %dma_wait3A_304 = tpu.memref_slice %arg8[%dma_wait3A_297, %dma_wait3A_303] : memref<16x16xf32, #tpu.memory_space<vmem>> -> memref<1x16xf32, #tpu.memory_space<vmem>>
      %dma_wait3A_305 = tpu.memref_squeeze %dma_wait3A_304 : memref<1x16xf32, #tpu.memory_space<vmem>> -> memref<16xf32, #tpu.memory_space<vmem>>
      %dma_wait3A_306 = tpu.memref_slice %arg4[%select_n3A, %add3A_95, %squeeze3A, %multiple_of3A_67] : memref<8x64x256x256xf32, #tpu.memory_space<hbm>> -> memref<1x1x1x16xf32, #tpu.memory_space<hbm>>
      %dma_wait3A_307 = tpu.memref_squeeze %dma_wait3A_306 : memref<1x1x1x16xf32, #tpu.memory_space<hbm>> -> memref<16xf32, #tpu.memory_space<hbm>>
      tpu.wait_dma2 semaphore(%arg9 : memref<!tpu.dma_semaphore, #tpu.memory_space<semaphore_mem>>) src(%dma_wait3A_307 : memref<16xf32, #tpu.memory_space<hbm>>) dst(%dma_wait3A_305 : memref<16xf32, #tpu.memory_space<vmem>>)
      %dma_wait3A_308 = arith.constant 3 : i32
      %dma_wait3A_309 = arith.constant 0 : i32
      %dma_wait3A_310 = tpu.memref_slice %arg8[%dma_wait3A_308, %dma_wait3A_309] : memref<16x16xf32, #tpu.memory_space<vmem>> -> memref<1x16xf32, #tpu.memory_space<vmem>>
      %dma_wait3A_311 = tpu.memref_squeeze %dma_wait3A_310 : memref<1x16xf32, #tpu.memory_space<vmem>> -> memref<16xf32, #tpu.memory_space<vmem>>
      %dma_wait3A_312 = tpu.memref_slice %arg4[%select_n3A, %add3A_108, %squeeze3A, %multiple_of3A_67] : memref<8x64x256x256xf32, #tpu.memory_space<hbm>> -> memref<1x1x1x16xf32, #tpu.memory_space<hbm>>
      %dma_wait3A_313 = tpu.memref_squeeze %dma_wait3A_312 : memref<1x1x1x16xf32, #tpu.memory_space<hbm>> -> memref<16xf32, #tpu.memory_space<hbm>>
      %dma_wait3A_314 = arith.constant 0 : i32
      %dma_wait3A_315 = tpu.memref_slice %arg8[%dma_wait3A_308, %dma_wait3A_314] : memref<16x16xf32, #tpu.memory_space<vmem>> -> memref<1x16xf32, #tpu.memory_space<vmem>>
      %dma_wait3A_316 = tpu.memref_squeeze %dma_wait3A_315 : memref<1x16xf32, #tpu.memory_space<vmem>> -> memref<16xf32, #tpu.memory_space<vmem>>
      %dma_wait3A_317 = tpu.memref_slice %arg4[%select_n3A, %add3A_108, %squeeze3A, %multiple_of3A_67] : memref<8x64x256x256xf32, #tpu.memory_space<hbm>> -> memref<1x1x1x16xf32, #tpu.memory_space<hbm>>
      %dma_wait3A_318 = tpu.memref_squeeze %dma_wait3A_317 : memref<1x1x1x16xf32, #tpu.memory_space<hbm>> -> memref<16xf32, #tpu.memory_space<hbm>>
      tpu.wait_dma2 semaphore(%arg9 : memref<!tpu.dma_semaphore, #tpu.memory_space<semaphore_mem>>) src(%dma_wait3A_318 : memref<16xf32, #tpu.memory_space<hbm>>) dst(%dma_wait3A_316 : memref<16xf32, #tpu.memory_space<vmem>>)
      %dma_wait3A_319 = arith.constant 4 : i32
      %dma_wait3A_320 = arith.constant 0 : i32
      %dma_wait3A_321 = tpu.memref_slice %arg8[%dma_wait3A_319, %dma_wait3A_320] : memref<16x16xf32, #tpu.memory_space<vmem>> -> memref<1x16xf32, #tpu.memory_space<vmem>>
      %dma_wait3A_322 = tpu.memref_squeeze %dma_wait3A_321 : memref<1x16xf32, #tpu.memory_space<vmem>> -> memref<16xf32, #tpu.memory_space<vmem>>
      %dma_wait3A_323 = tpu.memref_slice %arg4[%select_n3A, %add3A_121, %squeeze3A, %multiple_of3A_67] : memref<8x64x256x256xf32, #tpu.memory_space<hbm>> -> memref<1x1x1x16xf32, #tpu.memory_space<hbm>>
      %dma_wait3A_324 = tpu.memref_squeeze %dma_wait3A_323 : memref<1x1x1x16xf32, #tpu.memory_space<hbm>> -> memref<16xf32, #tpu.memory_space<hbm>>
      %dma_wait3A_325 = arith.constant 0 : i32
      %dma_wait3A_326 = tpu.memref_slice %arg8[%dma_wait3A_319, %dma_wait3A_325] : memref<16x16xf32, #tpu.memory_space<vmem>> -> memref<1x16xf32, #tpu.memory_space<vmem>>
      %dma_wait3A_327 = tpu.memref_squeeze %dma_wait3A_326 : memref<1x16xf32, #tpu.memory_space<vmem>> -> memref<16xf32, #tpu.memory_space<vmem>>
      %dma_wait3A_328 = tpu.memref_slice %arg4[%select_n3A, %add3A_121, %squeeze3A, %multiple_of3A_67] : memref<8x64x256x256xf32, #tpu.memory_space<hbm>> -> memref<1x1x1x16xf32, #tpu.memory_space<hbm>>
      %dma_wait3A_329 = tpu.memref_squeeze %dma_wait3A_328 : memref<1x1x1x16xf32, #tpu.memory_space<hbm>> -> memref<16xf32, #tpu.memory_space<hbm>>
      tpu.wait_dma2 semaphore(%arg9 : memref<!tpu.dma_semaphore, #tpu.memory_space<semaphore_mem>>) src(%dma_wait3A_329 : memref<16xf32, #tpu.memory_space<hbm>>) dst(%dma_wait3A_327 : memref<16xf32, #tpu.memory_space<vmem>>)
      %dma_wait3A_330 = arith.constant 5 : i32
      %dma_wait3A_331 = arith.constant 0 : i32
      %dma_wait3A_332 = tpu.memref_slice %arg8[%dma_wait3A_330, %dma_wait3A_331] : memref<16x16xf32, #tpu.memory_space<vmem>> -> memref<1x16xf32, #tpu.memory_space<vmem>>
      %dma_wait3A_333 = tpu.memref_squeeze %dma_wait3A_332 : memref<1x16xf32, #tpu.memory_space<vmem>> -> memref<16xf32, #tpu.memory_space<vmem>>
      %dma_wait3A_334 = tpu.memref_slice %arg4[%select_n3A, %add3A_134, %squeeze3A, %multiple_of3A_67] : memref<8x64x256x256xf32, #tpu.memory_space<hbm>> -> memref<1x1x1x16xf32, #tpu.memory_space<hbm>>
      %dma_wait3A_335 = tpu.memref_squeeze %dma_wait3A_334 : memref<1x1x1x16xf32, #tpu.memory_space<hbm>> -> memref<16xf32, #tpu.memory_space<hbm>>
      %dma_wait3A_336 = arith.constant 0 : i32
      %dma_wait3A_337 = tpu.memref_slice %arg8[%dma_wait3A_330, %dma_wait3A_336] : memref<16x16xf32, #tpu.memory_space<vmem>> -> memref<1x16xf32, #tpu.memory_space<vmem>>
      %dma_wait3A_338 = tpu.memref_squeeze %dma_wait3A_337 : memref<1x16xf32, #tpu.memory_space<vmem>> -> memref<16xf32, #tpu.memory_space<vmem>>
      %dma_wait3A_339 = tpu.memref_slice %arg4[%select_n3A, %add3A_134, %squeeze3A, %multiple_of3A_67] : memref<8x64x256x256xf32, #tpu.memory_space<hbm>> -> memref<1x1x1x16xf32, #tpu.memory_space<hbm>>
      %dma_wait3A_340 = tpu.memref_squeeze %dma_wait3A_339 : memref<1x1x1x16xf32, #tpu.memory_space<hbm>> -> memref<16xf32, #tpu.memory_space<hbm>>
      tpu.wait_dma2 semaphore(%arg9 : memref<!tpu.dma_semaphore, #tpu.memory_space<semaphore_mem>>) src(%dma_wait3A_340 : memref<16xf32, #tpu.memory_space<hbm>>) dst(%dma_wait3A_338 : memref<16xf32, #tpu.memory_space<vmem>>)
      %dma_wait3A_341 = arith.constant 6 : i32
      %dma_wait3A_342 = arith.constant 0 : i32
      %dma_wait3A_343 = tpu.memref_slice %arg8[%dma_wait3A_341, %dma_wait3A_342] : memref<16x16xf32, #tpu.memory_space<vmem>> -> memref<1x16xf32, #tpu.memory_space<vmem>>
      %dma_wait3A_344 = tpu.memref_squeeze %dma_wait3A_343 : memref<1x16xf32, #tpu.memory_space<vmem>> -> memref<16xf32, #tpu.memory_space<vmem>>
      %dma_wait3A_345 = tpu.memref_slice %arg4[%select_n3A, %add3A_147, %squeeze3A, %multiple_of3A_67] : memref<8x64x256x256xf32, #tpu.memory_space<hbm>> -> memref<1x1x1x16xf32, #tpu.memory_space<hbm>>
      %dma_wait3A_346 = tpu.memref_squeeze %dma_wait3A_345 : memref<1x1x1x16xf32, #tpu.memory_space<hbm>> -> memref<16xf32, #tpu.memory_space<hbm>>
      %dma_wait3A_347 = arith.constant 0 : i32
      %dma_wait3A_348 = tpu.memref_slice %arg8[%dma_wait3A_341, %dma_wait3A_347] : memref<16x16xf32, #tpu.memory_space<vmem>> -> memref<1x16xf32, #tpu.memory_space<vmem>>
      %dma_wait3A_349 = tpu.memref_squeeze %dma_wait3A_348 : memref<1x16xf32, #tpu.memory_space<vmem>> -> memref<16xf32, #tpu.memory_space<vmem>>
      %dma_wait3A_350 = tpu.memref_slice %arg4[%select_n3A, %add3A_147, %squeeze3A, %multiple_of3A_67] : memref<8x64x256x256xf32, #tpu.memory_space<hbm>> -> memref<1x1x1x16xf32, #tpu.memory_space<hbm>>
      %dma_wait3A_351 = tpu.memref_squeeze %dma_wait3A_350 : memref<1x1x1x16xf32, #tpu.memory_space<hbm>> -> memref<16xf32, #tpu.memory_space<hbm>>
      tpu.wait_dma2 semaphore(%arg9 : memref<!tpu.dma_semaphore, #tpu.memory_space<semaphore_mem>>) src(%dma_wait3A_351 : memref<16xf32, #tpu.memory_space<hbm>>) dst(%dma_wait3A_349 : memref<16xf32, #tpu.memory_space<vmem>>)
      %dma_wait3A_352 = arith.constant 7 : i32
      %dma_wait3A_353 = arith.constant 0 : i32
      %dma_wait3A_354 = tpu.memref_slice %arg8[%dma_wait3A_352, %dma_wait3A_353] : memref<16x16xf32, #tpu.memory_space<vmem>> -> memref<1x16xf32, #tpu.memory_space<vmem>>
      %dma_wait3A_355 = tpu.memref_squeeze %dma_wait3A_354 : memref<1x16xf32, #tpu.memory_space<vmem>> -> memref<16xf32, #tpu.memory_space<vmem>>
      %dma_wait3A_356 = tpu.memref_slice %arg4[%select_n3A, %add3A_160, %squeeze3A, %multiple_of3A_67] : memref<8x64x256x256xf32, #tpu.memory_space<hbm>> -> memref<1x1x1x16xf32, #tpu.memory_space<hbm>>
      %dma_wait3A_357 = tpu.memref_squeeze %dma_wait3A_356 : memref<1x1x1x16xf32, #tpu.memory_space<hbm>> -> memref<16xf32, #tpu.memory_space<hbm>>
      %dma_wait3A_358 = arith.constant 0 : i32
      %dma_wait3A_359 = tpu.memref_slice %arg8[%dma_wait3A_352, %dma_wait3A_358] : memref<16x16xf32, #tpu.memory_space<vmem>> -> memref<1x16xf32, #tpu.memory_space<vmem>>
      %dma_wait3A_360 = tpu.memref_squeeze %dma_wait3A_359 : memref<1x16xf32, #tpu.memory_space<vmem>> -> memref<16xf32, #tpu.memory_space<vmem>>
      %dma_wait3A_361 = tpu.memref_slice %arg4[%select_n3A, %add3A_160, %squeeze3A, %multiple_of3A_67] : memref<8x64x256x256xf32, #tpu.memory_space<hbm>> -> memref<1x1x1x16xf32, #tpu.memory_space<hbm>>
      %dma_wait3A_362 = tpu.memref_squeeze %dma_wait3A_361 : memref<1x1x1x16xf32, #tpu.memory_space<hbm>> -> memref<16xf32, #tpu.memory_space<hbm>>
      tpu.wait_dma2 semaphore(%arg9 : memref<!tpu.dma_semaphore, #tpu.memory_space<semaphore_mem>>) src(%dma_wait3A_362 : memref<16xf32, #tpu.memory_space<hbm>>) dst(%dma_wait3A_360 : memref<16xf32, #tpu.memory_space<vmem>>)
      %dma_wait3A_363 = arith.constant 8 : i32
      %dma_wait3A_364 = arith.constant 0 : i32
      %dma_wait3A_365 = tpu.memref_slice %arg8[%dma_wait3A_363, %dma_wait3A_364] : memref<16x16xf32, #tpu.memory_space<vmem>> -> memref<1x16xf32, #tpu.memory_space<vmem>>
      %dma_wait3A_366 = tpu.memref_squeeze %dma_wait3A_365 : memref<1x16xf32, #tpu.memory_space<vmem>> -> memref<16xf32, #tpu.memory_space<vmem>>
      %dma_wait3A_367 = tpu.memref_slice %arg4[%select_n3A, %add3A_173, %squeeze3A, %multiple_of3A_67] : memref<8x64x256x256xf32, #tpu.memory_space<hbm>> -> memref<1x1x1x16xf32, #tpu.memory_space<hbm>>
      %dma_wait3A_368 = tpu.memref_squeeze %dma_wait3A_367 : memref<1x1x1x16xf32, #tpu.memory_space<hbm>> -> memref<16xf32, #tpu.memory_space<hbm>>
      %dma_wait3A_369 = arith.constant 0 : i32
      %dma_wait3A_370 = tpu.memref_slice %arg8[%dma_wait3A_363, %dma_wait3A_369] : memref<16x16xf32, #tpu.memory_space<vmem>> -> memref<1x16xf32, #tpu.memory_space<vmem>>
      %dma_wait3A_371 = tpu.memref_squeeze %dma_wait3A_370 : memref<1x16xf32, #tpu.memory_space<vmem>> -> memref<16xf32, #tpu.memory_space<vmem>>
      %dma_wait3A_372 = tpu.memref_slice %arg4[%select_n3A, %add3A_173, %squeeze3A, %multiple_of3A_67] : memref<8x64x256x256xf32, #tpu.memory_space<hbm>> -> memref<1x1x1x16xf32, #tpu.memory_space<hbm>>
      %dma_wait3A_373 = tpu.memref_squeeze %dma_wait3A_372 : memref<1x1x1x16xf32, #tpu.memory_space<hbm>> -> memref<16xf32, #tpu.memory_space<hbm>>
      tpu.wait_dma2 semaphore(%arg9 : memref<!tpu.dma_semaphore, #tpu.memory_space<semaphore_mem>>) src(%dma_wait3A_373 : memref<16xf32, #tpu.memory_space<hbm>>) dst(%dma_wait3A_371 : memref<16xf32, #tpu.memory_space<vmem>>)
      %dma_wait3A_374 = arith.constant 9 : i32
      %dma_wait3A_375 = arith.constant 0 : i32
      %dma_wait3A_376 = tpu.memref_slice %arg8[%dma_wait3A_374, %dma_wait3A_375] : memref<16x16xf32, #tpu.memory_space<vmem>> -> memref<1x16xf32, #tpu.memory_space<vmem>>
      %dma_wait3A_377 = tpu.memref_squeeze %dma_wait3A_376 : memref<1x16xf32, #tpu.memory_space<vmem>> -> memref<16xf32, #tpu.memory_space<vmem>>
      %dma_wait3A_378 = tpu.memref_slice %arg4[%select_n3A, %add3A_186, %squeeze3A, %multiple_of3A_67] : memref<8x64x256x256xf32, #tpu.memory_space<hbm>> -> memref<1x1x1x16xf32, #tpu.memory_space<hbm>>
      %dma_wait3A_379 = tpu.memref_squeeze %dma_wait3A_378 : memref<1x1x1x16xf32, #tpu.memory_space<hbm>> -> memref<16xf32, #tpu.memory_space<hbm>>
      %dma_wait3A_380 = arith.constant 0 : i32
      %dma_wait3A_381 = tpu.memref_slice %arg8[%dma_wait3A_374, %dma_wait3A_380] : memref<16x16xf32, #tpu.memory_space<vmem>> -> memref<1x16xf32, #tpu.memory_space<vmem>>
      %dma_wait3A_382 = tpu.memref_squeeze %dma_wait3A_381 : memref<1x16xf32, #tpu.memory_space<vmem>> -> memref<16xf32, #tpu.memory_space<vmem>>
      %dma_wait3A_383 = tpu.memref_slice %arg4[%select_n3A, %add3A_186, %squeeze3A, %multiple_of3A_67] : memref<8x64x256x256xf32, #tpu.memory_space<hbm>> -> memref<1x1x1x16xf32, #tpu.memory_space<hbm>>
      %dma_wait3A_384 = tpu.memref_squeeze %dma_wait3A_383 : memref<1x1x1x16xf32, #tpu.memory_space<hbm>> -> memref<16xf32, #tpu.memory_space<hbm>>
      tpu.wait_dma2 semaphore(%arg9 : memref<!tpu.dma_semaphore, #tpu.memory_space<semaphore_mem>>) src(%dma_wait3A_384 : memref<16xf32, #tpu.memory_space<hbm>>) dst(%dma_wait3A_382 : memref<16xf32, #tpu.memory_space<vmem>>)
      %dma_wait3A_385 = arith.constant 10 : i32
      %dma_wait3A_386 = arith.constant 0 : i32
      %dma_wait3A_387 = tpu.memref_slice %arg8[%dma_wait3A_385, %dma_wait3A_386] : memref<16x16xf32, #tpu.memory_space<vmem>> -> memref<1x16xf32, #tpu.memory_space<vmem>>
      %dma_wait3A_388 = tpu.memref_squeeze %dma_wait3A_387 : memref<1x16xf32, #tpu.memory_space<vmem>> -> memref<16xf32, #tpu.memory_space<vmem>>
      %dma_wait3A_389 = tpu.memref_slice %arg4[%select_n3A, %add3A_199, %squeeze3A, %multiple_of3A_67] : memref<8x64x256x256xf32, #tpu.memory_space<hbm>> -> memref<1x1x1x16xf32, #tpu.memory_space<hbm>>
      %dma_wait3A_390 = tpu.memref_squeeze %dma_wait3A_389 : memref<1x1x1x16xf32, #tpu.memory_space<hbm>> -> memref<16xf32, #tpu.memory_space<hbm>>
      %dma_wait3A_391 = arith.constant 0 : i32
      %dma_wait3A_392 = tpu.memref_slice %arg8[%dma_wait3A_385, %dma_wait3A_391] : memref<16x16xf32, #tpu.memory_space<vmem>> -> memref<1x16xf32, #tpu.memory_space<vmem>>
      %dma_wait3A_393 = tpu.memref_squeeze %dma_wait3A_392 : memref<1x16xf32, #tpu.memory_space<vmem>> -> memref<16xf32, #tpu.memory_space<vmem>>
      %dma_wait3A_394 = tpu.memref_slice %arg4[%select_n3A, %add3A_199, %squeeze3A, %multiple_of3A_67] : memref<8x64x256x256xf32, #tpu.memory_space<hbm>> -> memref<1x1x1x16xf32, #tpu.memory_space<hbm>>
      %dma_wait3A_395 = tpu.memref_squeeze %dma_wait3A_394 : memref<1x1x1x16xf32, #tpu.memory_space<hbm>> -> memref<16xf32, #tpu.memory_space<hbm>>
      tpu.wait_dma2 semaphore(%arg9 : memref<!tpu.dma_semaphore, #tpu.memory_space<semaphore_mem>>) src(%dma_wait3A_395 : memref<16xf32, #tpu.memory_space<hbm>>) dst(%dma_wait3A_393 : memref<16xf32, #tpu.memory_space<vmem>>)
      %dma_wait3A_396 = arith.constant 11 : i32
      %dma_wait3A_397 = arith.constant 0 : i32
      %dma_wait3A_398 = tpu.memref_slice %arg8[%dma_wait3A_396, %dma_wait3A_397] : memref<16x16xf32, #tpu.memory_space<vmem>> -> memref<1x16xf32, #tpu.memory_space<vmem>>
      %dma_wait3A_399 = tpu.memref_squeeze %dma_wait3A_398 : memref<1x16xf32, #tpu.memory_space<vmem>> -> memref<16xf32, #tpu.memory_space<vmem>>
      %dma_wait3A_400 = tpu.memref_slice %arg4[%select_n3A, %add3A_212, %squeeze3A, %multiple_of3A_67] : memref<8x64x256x256xf32, #tpu.memory_space<hbm>> -> memref<1x1x1x16xf32, #tpu.memory_space<hbm>>
      %dma_wait3A_401 = tpu.memref_squeeze %dma_wait3A_400 : memref<1x1x1x16xf32, #tpu.memory_space<hbm>> -> memref<16xf32, #tpu.memory_space<hbm>>
      %dma_wait3A_402 = arith.constant 0 : i32
      %dma_wait3A_403 = tpu.memref_slice %arg8[%dma_wait3A_396, %dma_wait3A_402] : memref<16x16xf32, #tpu.memory_space<vmem>> -> memref<1x16xf32, #tpu.memory_space<vmem>>
      %dma_wait3A_404 = tpu.memref_squeeze %dma_wait3A_403 : memref<1x16xf32, #tpu.memory_space<vmem>> -> memref<16xf32, #tpu.memory_space<vmem>>
      %dma_wait3A_405 = tpu.memref_slice %arg4[%select_n3A, %add3A_212, %squeeze3A, %multiple_of3A_67] : memref<8x64x256x256xf32, #tpu.memory_space<hbm>> -> memref<1x1x1x16xf32, #tpu.memory_space<hbm>>
      %dma_wait3A_406 = tpu.memref_squeeze %dma_wait3A_405 : memref<1x1x1x16xf32, #tpu.memory_space<hbm>> -> memref<16xf32, #tpu.memory_space<hbm>>
      tpu.wait_dma2 semaphore(%arg9 : memref<!tpu.dma_semaphore, #tpu.memory_space<semaphore_mem>>) src(%dma_wait3A_406 : memref<16xf32, #tpu.memory_space<hbm>>) dst(%dma_wait3A_404 : memref<16xf32, #tpu.memory_space<vmem>>)
      %dma_wait3A_407 = arith.constant 12 : i32
      %dma_wait3A_408 = arith.constant 0 : i32
      %dma_wait3A_409 = tpu.memref_slice %arg8[%dma_wait3A_407, %dma_wait3A_408] : memref<16x16xf32, #tpu.memory_space<vmem>> -> memref<1x16xf32, #tpu.memory_space<vmem>>
      %dma_wait3A_410 = tpu.memref_squeeze %dma_wait3A_409 : memref<1x16xf32, #tpu.memory_space<vmem>> -> memref<16xf32, #tpu.memory_space<vmem>>
      %dma_wait3A_411 = tpu.memref_slice %arg4[%select_n3A, %add3A_225, %squeeze3A, %multiple_of3A_67] : memref<8x64x256x256xf32, #tpu.memory_space<hbm>> -> memref<1x1x1x16xf32, #tpu.memory_space<hbm>>
      %dma_wait3A_412 = tpu.memref_squeeze %dma_wait3A_411 : memref<1x1x1x16xf32, #tpu.memory_space<hbm>> -> memref<16xf32, #tpu.memory_space<hbm>>
      %dma_wait3A_413 = arith.constant 0 : i32
      %dma_wait3A_414 = tpu.memref_slice %arg8[%dma_wait3A_407, %dma_wait3A_413] : memref<16x16xf32, #tpu.memory_space<vmem>> -> memref<1x16xf32, #tpu.memory_space<vmem>>
      %dma_wait3A_415 = tpu.memref_squeeze %dma_wait3A_414 : memref<1x16xf32, #tpu.memory_space<vmem>> -> memref<16xf32, #tpu.memory_space<vmem>>
      %dma_wait3A_416 = tpu.memref_slice %arg4[%select_n3A, %add3A_225, %squeeze3A, %multiple_of3A_67] : memref<8x64x256x256xf32, #tpu.memory_space<hbm>> -> memref<1x1x1x16xf32, #tpu.memory_space<hbm>>
      %dma_wait3A_417 = tpu.memref_squeeze %dma_wait3A_416 : memref<1x1x1x16xf32, #tpu.memory_space<hbm>> -> memref<16xf32, #tpu.memory_space<hbm>>
      tpu.wait_dma2 semaphore(%arg9 : memref<!tpu.dma_semaphore, #tpu.memory_space<semaphore_mem>>) src(%dma_wait3A_417 : memref<16xf32, #tpu.memory_space<hbm>>) dst(%dma_wait3A_415 : memref<16xf32, #tpu.memory_space<vmem>>)
      %dma_wait3A_418 = arith.constant 13 : i32
      %dma_wait3A_419 = arith.constant 0 : i32
      %dma_wait3A_420 = tpu.memref_slice %arg8[%dma_wait3A_418, %dma_wait3A_419] : memref<16x16xf32, #tpu.memory_space<vmem>> -> memref<1x16xf32, #tpu.memory_space<vmem>>
      %dma_wait3A_421 = tpu.memref_squeeze %dma_wait3A_420 : memref<1x16xf32, #tpu.memory_space<vmem>> -> memref<16xf32, #tpu.memory_space<vmem>>
      %dma_wait3A_422 = tpu.memref_slice %arg4[%select_n3A, %add3A_238, %squeeze3A, %multiple_of3A_67] : memref<8x64x256x256xf32, #tpu.memory_space<hbm>> -> memref<1x1x1x16xf32, #tpu.memory_space<hbm>>
      %dma_wait3A_423 = tpu.memref_squeeze %dma_wait3A_422 : memref<1x1x1x16xf32, #tpu.memory_space<hbm>> -> memref<16xf32, #tpu.memory_space<hbm>>
      %dma_wait3A_424 = arith.constant 0 : i32
      %dma_wait3A_425 = tpu.memref_slice %arg8[%dma_wait3A_418, %dma_wait3A_424] : memref<16x16xf32, #tpu.memory_space<vmem>> -> memref<1x16xf32, #tpu.memory_space<vmem>>
      %dma_wait3A_426 = tpu.memref_squeeze %dma_wait3A_425 : memref<1x16xf32, #tpu.memory_space<vmem>> -> memref<16xf32, #tpu.memory_space<vmem>>
      %dma_wait3A_427 = tpu.memref_slice %arg4[%select_n3A, %add3A_238, %squeeze3A, %multiple_of3A_67] : memref<8x64x256x256xf32, #tpu.memory_space<hbm>> -> memref<1x1x1x16xf32, #tpu.memory_space<hbm>>
      %dma_wait3A_428 = tpu.memref_squeeze %dma_wait3A_427 : memref<1x1x1x16xf32, #tpu.memory_space<hbm>> -> memref<16xf32, #tpu.memory_space<hbm>>
      tpu.wait_dma2 semaphore(%arg9 : memref<!tpu.dma_semaphore, #tpu.memory_space<semaphore_mem>>) src(%dma_wait3A_428 : memref<16xf32, #tpu.memory_space<hbm>>) dst(%dma_wait3A_426 : memref<16xf32, #tpu.memory_space<vmem>>)
      %dma_wait3A_429 = arith.constant 14 : i32
      %dma_wait3A_430 = arith.constant 0 : i32
      %dma_wait3A_431 = tpu.memref_slice %arg8[%dma_wait3A_429, %dma_wait3A_430] : memref<16x16xf32, #tpu.memory_space<vmem>> -> memref<1x16xf32, #tpu.memory_space<vmem>>
      %dma_wait3A_432 = tpu.memref_squeeze %dma_wait3A_431 : memref<1x16xf32, #tpu.memory_space<vmem>> -> memref<16xf32, #tpu.memory_space<vmem>>
      %dma_wait3A_433 = tpu.memref_slice %arg4[%select_n3A, %add3A_251, %squeeze3A, %multiple_of3A_67] : memref<8x64x256x256xf32, #tpu.memory_space<hbm>> -> memref<1x1x1x16xf32, #tpu.memory_space<hbm>>
      %dma_wait3A_434 = tpu.memref_squeeze %dma_wait3A_433 : memref<1x1x1x16xf32, #tpu.memory_space<hbm>> -> memref<16xf32, #tpu.memory_space<hbm>>
      %dma_wait3A_435 = arith.constant 0 : i32
      %dma_wait3A_436 = tpu.memref_slice %arg8[%dma_wait3A_429, %dma_wait3A_435] : memref<16x16xf32, #tpu.memory_space<vmem>> -> memref<1x16xf32, #tpu.memory_space<vmem>>
      %dma_wait3A_437 = tpu.memref_squeeze %dma_wait3A_436 : memref<1x16xf32, #tpu.memory_space<vmem>> -> memref<16xf32, #tpu.memory_space<vmem>>
      %dma_wait3A_438 = tpu.memref_slice %arg4[%select_n3A, %add3A_251, %squeeze3A, %multiple_of3A_67] : memref<8x64x256x256xf32, #tpu.memory_space<hbm>> -> memref<1x1x1x16xf32, #tpu.memory_space<hbm>>
      %dma_wait3A_439 = tpu.memref_squeeze %dma_wait3A_438 : memref<1x1x1x16xf32, #tpu.memory_space<hbm>> -> memref<16xf32, #tpu.memory_space<hbm>>
      tpu.wait_dma2 semaphore(%arg9 : memref<!tpu.dma_semaphore, #tpu.memory_space<semaphore_mem>>) src(%dma_wait3A_439 : memref<16xf32, #tpu.memory_space<hbm>>) dst(%dma_wait3A_437 : memref<16xf32, #tpu.memory_space<vmem>>)
      %dma_wait3A_440 = arith.constant 15 : i32
      %dma_wait3A_441 = arith.constant 0 : i32
      %dma_wait3A_442 = tpu.memref_slice %arg8[%dma_wait3A_440, %dma_wait3A_441] : memref<16x16xf32, #tpu.memory_space<vmem>> -> memref<1x16xf32, #tpu.memory_space<vmem>>
      %dma_wait3A_443 = tpu.memref_squeeze %dma_wait3A_442 : memref<1x16xf32, #tpu.memory_space<vmem>> -> memref<16xf32, #tpu.memory_space<vmem>>
      %dma_wait3A_444 = tpu.memref_slice %arg4[%select_n3A, %add3A_264, %squeeze3A, %multiple_of3A_67] : memref<8x64x256x256xf32, #tpu.memory_space<hbm>> -> memref<1x1x1x16xf32, #tpu.memory_space<hbm>>
      %dma_wait3A_445 = tpu.memref_squeeze %dma_wait3A_444 : memref<1x1x1x16xf32, #tpu.memory_space<hbm>> -> memref<16xf32, #tpu.memory_space<hbm>>
      %dma_wait3A_446 = arith.constant 0 : i32
      %dma_wait3A_447 = tpu.memref_slice %arg8[%dma_wait3A_440, %dma_wait3A_446] : memref<16x16xf32, #tpu.memory_space<vmem>> -> memref<1x16xf32, #tpu.memory_space<vmem>>
      %dma_wait3A_448 = tpu.memref_squeeze %dma_wait3A_447 : memref<1x16xf32, #tpu.memory_space<vmem>> -> memref<16xf32, #tpu.memory_space<vmem>>
      %dma_wait3A_449 = tpu.memref_slice %arg4[%select_n3A, %add3A_264, %squeeze3A, %multiple_of3A_67] : memref<8x64x256x256xf32, #tpu.memory_space<hbm>> -> memref<1x1x1x16xf32, #tpu.memory_space<hbm>>
      %dma_wait3A_450 = tpu.memref_squeeze %dma_wait3A_449 : memref<1x1x1x16xf32, #tpu.memory_space<hbm>> -> memref<16xf32, #tpu.memory_space<hbm>>
      tpu.wait_dma2 semaphore(%arg9 : memref<!tpu.dma_semaphore, #tpu.memory_space<semaphore_mem>>) src(%dma_wait3A_450 : memref<16xf32, #tpu.memory_space<hbm>>) dst(%dma_wait3A_448 : memref<16xf32, #tpu.memory_space<vmem>>)
      %get3A_451 = arith.constant 0 : index
      %get3A_452 = tpu.vector_load %arg7[%get3A_451] {strides = array<i32>} : memref<16xf32, #tpu.memory_space<vmem>>, vector<16xf32>,
      %get3A_453 = vector.shape_cast %get3A_452 : vector<16xf32> to vector<16xf32>
      %iota3A = tpu.iota {dimensions = array<i32: 0>} : vector<16xi32>
      %eq3A_454 = vector.broadcast %sub3A_68 : i32 to vector<16xi32>
      %eq3A_455 = arith.cmpi eq, %iota3A, %eq3A_454 : vector<16xi32>
      %get3A_456 = arith.constant 0 : i32
      %get3A_457 = arith.index_cast %get3A_456 : i32 to index
      %get3A_458 = arith.constant 0 : index
      %get3A_459 = tpu.vector_load %arg8[%get3A_457, %get3A_458] {strides = array<i32>} : memref<16x16xf32, #tpu.memory_space<vmem>>, vector<1x16xf32>,
      %get3A_460 = vector.shape_cast %get3A_459 : vector<1x16xf32> to vector<16xf32>
      %slice3A_461 = vector.extract_strided_slice %get3A_453 {offsets = [0], sizes = [1], strides = [1]} : vector<16xf32> to vector<1xf32>
      %squeeze3A_462 = vector.extract %slice3A_461[0] : f32 from vector<1xf32>
      %max3A = vector.broadcast %squeeze3A_462 : f32 to vector<16xf32>
      %max3A_463 = arith.maximumf %get3A_460, %max3A : vector<16xf32>
      %select_n3A_464 = arith.select %eq3A_455, %max3A_463, %get3A_460 : vector<16xi1>, vector<16xf32>
      %swap3A = arith.constant 0 : i32
      %swap3A_465 = arith.index_cast %swap3A : i32 to index
      %swap3A_466 = arith.constant 0 : index
      %swap3A_467 = tpu.vector_load %arg8[%swap3A_465, %swap3A_466] {strides = array<i32>} : memref<16x16xf32, #tpu.memory_space<vmem>>, vector<1x16xf32>,
      %swap3A_468 = vector.shape_cast %swap3A_467 : vector<1x16xf32> to vector<16xf32>
      %swap3A_469 = vector.shape_cast %select_n3A_464 : vector<16xf32> to vector<1x16xf32>
      tpu.vector_store %arg8[%swap3A_465, %swap3A_466], %swap3A_469 {strides = array<i32>} : memref<16x16xf32, #tpu.memory_space<vmem>>, vector<1x16xf32>,
      %get3A_470 = arith.constant 1 : i32
      %get3A_471 = arith.index_cast %get3A_470 : i32 to index
      %get3A_472 = arith.constant 0 : index
      %get3A_473 = tpu.vector_load %arg8[%get3A_471, %get3A_472] {strides = array<i32>} : memref<16x16xf32, #tpu.memory_space<vmem>>, vector<1x16xf32>,
      %get3A_474 = vector.shape_cast %get3A_473 : vector<1x16xf32> to vector<16xf32>
      %slice3A_475 = vector.extract_strided_slice %get3A_453 {offsets = [1], sizes = [1], strides = [1]} : vector<16xf32> to vector<1xf32>
      %squeeze3A_476 = vector.extract %slice3A_475[0] : f32 from vector<1xf32>
      %max3A_477 = vector.broadcast %squeeze3A_476 : f32 to vector<16xf32>
      %max3A_478 = arith.maximumf %get3A_474, %max3A_477 : vector<16xf32>
      %select_n3A_479 = arith.select %eq3A_455, %max3A_478, %get3A_474 : vector<16xi1>, vector<16xf32>
      %swap3A_480 = arith.constant 1 : i32
      %swap3A_481 = arith.index_cast %swap3A_480 : i32 to index
      %swap3A_482 = arith.constant 0 : index
      %swap3A_483 = tpu.vector_load %arg8[%swap3A_481, %swap3A_482] {strides = array<i32>} : memref<16x16xf32, #tpu.memory_space<vmem>>, vector<1x16xf32>,
      %swap3A_484 = vector.shape_cast %swap3A_483 : vector<1x16xf32> to vector<16xf32>
      %swap3A_485 = vector.shape_cast %select_n3A_479 : vector<16xf32> to vector<1x16xf32>
      tpu.vector_store %arg8[%swap3A_481, %swap3A_482], %swap3A_485 {strides = array<i32>} : memref<16x16xf32, #tpu.memory_space<vmem>>, vector<1x16xf32>,
      %get3A_486 = arith.constant 2 : i32
      %get3A_487 = arith.index_cast %get3A_486 : i32 to index
      %get3A_488 = arith.constant 0 : index
      %get3A_489 = tpu.vector_load %arg8[%get3A_487, %get3A_488] {strides = array<i32>} : memref<16x16xf32, #tpu.memory_space<vmem>>, vector<1x16xf32>,
      %get3A_490 = vector.shape_cast %get3A_489 : vector<1x16xf32> to vector<16xf32>
      %slice3A_491 = vector.extract_strided_slice %get3A_453 {offsets = [2], sizes = [1], strides = [1]} : vector<16xf32> to vector<1xf32>
      %squeeze3A_492 = vector.extract %slice3A_491[0] : f32 from vector<1xf32>
      %max3A_493 = vector.broadcast %squeeze3A_492 : f32 to vector<16xf32>
      %max3A_494 = arith.maximumf %get3A_490, %max3A_493 : vector<16xf32>
      %select_n3A_495 = arith.select %eq3A_455, %max3A_494, %get3A_490 : vector<16xi1>, vector<16xf32>
      %swap3A_496 = arith.constant 2 : i32
      %swap3A_497 = arith.index_cast %swap3A_496 : i32 to index
      %swap3A_498 = arith.constant 0 : index
      %swap3A_499 = tpu.vector_load %arg8[%swap3A_497, %swap3A_498] {strides = array<i32>} : memref<16x16xf32, #tpu.memory_space<vmem>>, vector<1x16xf32>,
      %swap3A_500 = vector.shape_cast %swap3A_499 : vector<1x16xf32> to vector<16xf32>
      %swap3A_501 = vector.shape_cast %select_n3A_495 : vector<16xf32> to vector<1x16xf32>
      tpu.vector_store %arg8[%swap3A_497, %swap3A_498], %swap3A_501 {strides = array<i32>} : memref<16x16xf32, #tpu.memory_space<vmem>>, vector<1x16xf32>,
      %get3A_502 = arith.constant 3 : i32
      %get3A_503 = arith.index_cast %get3A_502 : i32 to index
      %get3A_504 = arith.constant 0 : index
      %get3A_505 = tpu.vector_load %arg8[%get3A_503, %get3A_504] {strides = array<i32>} : memref<16x16xf32, #tpu.memory_space<vmem>>, vector<1x16xf32>,
      %get3A_506 = vector.shape_cast %get3A_505 : vector<1x16xf32> to vector<16xf32>
      %slice3A_507 = vector.extract_strided_slice %get3A_453 {offsets = [3], sizes = [1], strides = [1]} : vector<16xf32> to vector<1xf32>
      %squeeze3A_508 = vector.extract %slice3A_507[0] : f32 from vector<1xf32>
      %max3A_509 = vector.broadcast %squeeze3A_508 : f32 to vector<16xf32>
      %max3A_510 = arith.maximumf %get3A_506, %max3A_509 : vector<16xf32>
      %select_n3A_511 = arith.select %eq3A_455, %max3A_510, %get3A_506 : vector<16xi1>, vector<16xf32>
      %swap3A_512 = arith.constant 3 : i32
      %swap3A_513 = arith.index_cast %swap3A_512 : i32 to index
      %swap3A_514 = arith.constant 0 : index
      %swap3A_515 = tpu.vector_load %arg8[%swap3A_513, %swap3A_514] {strides = array<i32>} : memref<16x16xf32, #tpu.memory_space<vmem>>, vector<1x16xf32>,
      %swap3A_516 = vector.shape_cast %swap3A_515 : vector<1x16xf32> to vector<16xf32>
      %swap3A_517 = vector.shape_cast %select_n3A_511 : vector<16xf32> to vector<1x16xf32>
      tpu.vector_store %arg8[%swap3A_513, %swap3A_514], %swap3A_517 {strides = array<i32>} : memref<16x16xf32, #tpu.memory_space<vmem>>, vector<1x16xf32>,
      %get3A_518 = arith.constant 4 : i32
      %get3A_519 = arith.index_cast %get3A_518 : i32 to index
      %get3A_520 = arith.constant 0 : index
      %get3A_521 = tpu.vector_load %arg8[%get3A_519, %get3A_520] {strides = array<i32>} : memref<16x16xf32, #tpu.memory_space<vmem>>, vector<1x16xf32>,
      %get3A_522 = vector.shape_cast %get3A_521 : vector<1x16xf32> to vector<16xf32>
      %slice3A_523 = vector.extract_strided_slice %get3A_453 {offsets = [4], sizes = [1], strides = [1]} : vector<16xf32> to vector<1xf32>
      %squeeze3A_524 = vector.extract %slice3A_523[0] : f32 from vector<1xf32>
      %max3A_525 = vector.broadcast %squeeze3A_524 : f32 to vector<16xf32>
      %max3A_526 = arith.maximumf %get3A_522, %max3A_525 : vector<16xf32>
      %select_n3A_527 = arith.select %eq3A_455, %max3A_526, %get3A_522 : vector<16xi1>, vector<16xf32>
      %swap3A_528 = arith.constant 4 : i32
      %swap3A_529 = arith.index_cast %swap3A_528 : i32 to index
      %swap3A_530 = arith.constant 0 : index
      %swap3A_531 = tpu.vector_load %arg8[%swap3A_529, %swap3A_530] {strides = array<i32>} : memref<16x16xf32, #tpu.memory_space<vmem>>, vector<1x16xf32>,
      %swap3A_532 = vector.shape_cast %swap3A_531 : vector<1x16xf32> to vector<16xf32>
      %swap3A_533 = vector.shape_cast %select_n3A_527 : vector<16xf32> to vector<1x16xf32>
      tpu.vector_store %arg8[%swap3A_529, %swap3A_530], %swap3A_533 {strides = array<i32>} : memref<16x16xf32, #tpu.memory_space<vmem>>, vector<1x16xf32>,
      %get3A_534 = arith.constant 5 : i32
      %get3A_535 = arith.index_cast %get3A_534 : i32 to index
      %get3A_536 = arith.constant 0 : index
      %get3A_537 = tpu.vector_load %arg8[%get3A_535, %get3A_536] {strides = array<i32>} : memref<16x16xf32, #tpu.memory_space<vmem>>, vector<1x16xf32>,
      %get3A_538 = vector.shape_cast %get3A_537 : vector<1x16xf32> to vector<16xf32>
      %slice3A_539 = vector.extract_strided_slice %get3A_453 {offsets = [5], sizes = [1], strides = [1]} : vector<16xf32> to vector<1xf32>
      %squeeze3A_540 = vector.extract %slice3A_539[0] : f32 from vector<1xf32>
      %max3A_541 = vector.broadcast %squeeze3A_540 : f32 to vector<16xf32>
      %max3A_542 = arith.maximumf %get3A_538, %max3A_541 : vector<16xf32>
      %select_n3A_543 = arith.select %eq3A_455, %max3A_542, %get3A_538 : vector<16xi1>, vector<16xf32>
      %swap3A_544 = arith.constant 5 : i32
      %swap3A_545 = arith.index_cast %swap3A_544 : i32 to index
      %swap3A_546 = arith.constant 0 : index
      %swap3A_547 = tpu.vector_load %arg8[%swap3A_545, %swap3A_546] {strides = array<i32>} : memref<16x16xf32, #tpu.memory_space<vmem>>, vector<1x16xf32>,
      %swap3A_548 = vector.shape_cast %swap3A_547 : vector<1x16xf32> to vector<16xf32>
      %swap3A_549 = vector.shape_cast %select_n3A_543 : vector<16xf32> to vector<1x16xf32>
      tpu.vector_store %arg8[%swap3A_545, %swap3A_546], %swap3A_549 {strides = array<i32>} : memref<16x16xf32, #tpu.memory_space<vmem>>, vector<1x16xf32>,
      %get3A_550 = arith.constant 6 : i32
      %get3A_551 = arith.index_cast %get3A_550 : i32 to index
      %get3A_552 = arith.constant 0 : index
      %get3A_553 = tpu.vector_load %arg8[%get3A_551, %get3A_552] {strides = array<i32>} : memref<16x16xf32, #tpu.memory_space<vmem>>, vector<1x16xf32>,
      %get3A_554 = vector.shape_cast %get3A_553 : vector<1x16xf32> to vector<16xf32>
      %slice3A_555 = vector.extract_strided_slice %get3A_453 {offsets = [6], sizes = [1], strides = [1]} : vector<16xf32> to vector<1xf32>
      %squeeze3A_556 = vector.extract %slice3A_555[0] : f32 from vector<1xf32>
      %max3A_557 = vector.broadcast %squeeze3A_556 : f32 to vector<16xf32>
      %max3A_558 = arith.maximumf %get3A_554, %max3A_557 : vector<16xf32>
      %select_n3A_559 = arith.select %eq3A_455, %max3A_558, %get3A_554 : vector<16xi1>, vector<16xf32>
      %swap3A_560 = arith.constant 6 : i32
      %swap3A_561 = arith.index_cast %swap3A_560 : i32 to index
      %swap3A_562 = arith.constant 0 : index
      %swap3A_563 = tpu.vector_load %arg8[%swap3A_561, %swap3A_562] {strides = array<i32>} : memref<16x16xf32, #tpu.memory_space<vmem>>, vector<1x16xf32>,
      %swap3A_564 = vector.shape_cast %swap3A_563 : vector<1x16xf32> to vector<16xf32>
      %swap3A_565 = vector.shape_cast %select_n3A_559 : vector<16xf32> to vector<1x16xf32>
      tpu.vector_store %arg8[%swap3A_561, %swap3A_562], %swap3A_565 {strides = array<i32>} : memref<16x16xf32, #tpu.memory_space<vmem>>, vector<1x16xf32>,
      %get3A_566 = arith.constant 7 : i32
      %get3A_567 = arith.index_cast %get3A_566 : i32 to index
      %get3A_568 = arith.constant 0 : index
      %get3A_569 = tpu.vector_load %arg8[%get3A_567, %get3A_568] {strides = array<i32>} : memref<16x16xf32, #tpu.memory_space<vmem>>, vector<1x16xf32>,
      %get3A_570 = vector.shape_cast %get3A_569 : vector<1x16xf32> to vector<16xf32>
      %slice3A_571 = vector.extract_strided_slice %get3A_453 {offsets = [7], sizes = [1], strides = [1]} : vector<16xf32> to vector<1xf32>
      %squeeze3A_572 = vector.extract %slice3A_571[0] : f32 from vector<1xf32>
      %max3A_573 = vector.broadcast %squeeze3A_572 : f32 to vector<16xf32>
      %max3A_574 = arith.maximumf %get3A_570, %max3A_573 : vector<16xf32>
      %select_n3A_575 = arith.select %eq3A_455, %max3A_574, %get3A_570 : vector<16xi1>, vector<16xf32>
      %swap3A_576 = arith.constant 7 : i32
      %swap3A_577 = arith.index_cast %swap3A_576 : i32 to index
      %swap3A_578 = arith.constant 0 : index
      %swap3A_579 = tpu.vector_load %arg8[%swap3A_577, %swap3A_578] {strides = array<i32>} : memref<16x16xf32, #tpu.memory_space<vmem>>, vector<1x16xf32>,
      %swap3A_580 = vector.shape_cast %swap3A_579 : vector<1x16xf32> to vector<16xf32>
      %swap3A_581 = vector.shape_cast %select_n3A_575 : vector<16xf32> to vector<1x16xf32>
      tpu.vector_store %arg8[%swap3A_577, %swap3A_578], %swap3A_581 {strides = array<i32>} : memref<16x16xf32, #tpu.memory_space<vmem>>, vector<1x16xf32>,
      %get3A_582 = arith.constant 8 : i32
      %get3A_583 = arith.index_cast %get3A_582 : i32 to index
      %get3A_584 = arith.constant 0 : index
      %get3A_585 = tpu.vector_load %arg8[%get3A_583, %get3A_584] {strides = array<i32>} : memref<16x16xf32, #tpu.memory_space<vmem>>, vector<1x16xf32>,
      %get3A_586 = vector.shape_cast %get3A_585 : vector<1x16xf32> to vector<16xf32>
      %slice3A_587 = vector.extract_strided_slice %get3A_453 {offsets = [8], sizes = [1], strides = [1]} : vector<16xf32> to vector<1xf32>
      %squeeze3A_588 = vector.extract %slice3A_587[0] : f32 from vector<1xf32>
      %max3A_589 = vector.broadcast %squeeze3A_588 : f32 to vector<16xf32>
      %max3A_590 = arith.maximumf %get3A_586, %max3A_589 : vector<16xf32>
      %select_n3A_591 = arith.select %eq3A_455, %max3A_590, %get3A_586 : vector<16xi1>, vector<16xf32>
      %swap3A_592 = arith.constant 8 : i32
      %swap3A_593 = arith.index_cast %swap3A_592 : i32 to index
      %swap3A_594 = arith.constant 0 : index
      %swap3A_595 = tpu.vector_load %arg8[%swap3A_593, %swap3A_594] {strides = array<i32>} : memref<16x16xf32, #tpu.memory_space<vmem>>, vector<1x16xf32>,
      %swap3A_596 = vector.shape_cast %swap3A_595 : vector<1x16xf32> to vector<16xf32>
      %swap3A_597 = vector.shape_cast %select_n3A_591 : vector<16xf32> to vector<1x16xf32>
      tpu.vector_store %arg8[%swap3A_593, %swap3A_594], %swap3A_597 {strides = array<i32>} : memref<16x16xf32, #tpu.memory_space<vmem>>, vector<1x16xf32>,
      %get3A_598 = arith.constant 9 : i32
      %get3A_599 = arith.index_cast %get3A_598 : i32 to index
      %get3A_600 = arith.constant 0 : index
      %get3A_601 = tpu.vector_load %arg8[%get3A_599, %get3A_600] {strides = array<i32>} : memref<16x16xf32, #tpu.memory_space<vmem>>, vector<1x16xf32>,
      %get3A_602 = vector.shape_cast %get3A_601 : vector<1x16xf32> to vector<16xf32>
      %slice3A_603 = vector.extract_strided_slice %get3A_453 {offsets = [9], sizes = [1], strides = [1]} : vector<16xf32> to vector<1xf32>
      %squeeze3A_604 = vector.extract %slice3A_603[0] : f32 from vector<1xf32>
      %max3A_605 = vector.broadcast %squeeze3A_604 : f32 to vector<16xf32>
      %max3A_606 = arith.maximumf %get3A_602, %max3A_605 : vector<16xf32>
      %select_n3A_607 = arith.select %eq3A_455, %max3A_606, %get3A_602 : vector<16xi1>, vector<16xf32>
      %swap3A_608 = arith.constant 9 : i32
      %swap3A_609 = arith.index_cast %swap3A_608 : i32 to index
      %swap3A_610 = arith.constant 0 : index
      %swap3A_611 = tpu.vector_load %arg8[%swap3A_609, %swap3A_610] {strides = array<i32>} : memref<16x16xf32, #tpu.memory_space<vmem>>, vector<1x16xf32>,
      %swap3A_612 = vector.shape_cast %swap3A_611 : vector<1x16xf32> to vector<16xf32>
      %swap3A_613 = vector.shape_cast %select_n3A_607 : vector<16xf32> to vector<1x16xf32>
      tpu.vector_store %arg8[%swap3A_609, %swap3A_610], %swap3A_613 {strides = array<i32>} : memref<16x16xf32, #tpu.memory_space<vmem>>, vector<1x16xf32>,
      %get3A_614 = arith.constant 10 : i32
      %get3A_615 = arith.index_cast %get3A_614 : i32 to index
      %get3A_616 = arith.constant 0 : index
      %get3A_617 = tpu.vector_load %arg8[%get3A_615, %get3A_616] {strides = array<i32>} : memref<16x16xf32, #tpu.memory_space<vmem>>, vector<1x16xf32>,
      %get3A_618 = vector.shape_cast %get3A_617 : vector<1x16xf32> to vector<16xf32>
      %slice3A_619 = vector.extract_strided_slice %get3A_453 {offsets = [10], sizes = [1], strides = [1]} : vector<16xf32> to vector<1xf32>
      %squeeze3A_620 = vector.extract %slice3A_619[0] : f32 from vector<1xf32>
      %max3A_621 = vector.broadcast %squeeze3A_620 : f32 to vector<16xf32>
      %max3A_622 = arith.maximumf %get3A_618, %max3A_621 : vector<16xf32>
      %select_n3A_623 = arith.select %eq3A_455, %max3A_622, %get3A_618 : vector<16xi1>, vector<16xf32>
      %swap3A_624 = arith.constant 10 : i32
      %swap3A_625 = arith.index_cast %swap3A_624 : i32 to index
      %swap3A_626 = arith.constant 0 : index
      %swap3A_627 = tpu.vector_load %arg8[%swap3A_625, %swap3A_626] {strides = array<i32>} : memref<16x16xf32, #tpu.memory_space<vmem>>, vector<1x16xf32>,
      %swap3A_628 = vector.shape_cast %swap3A_627 : vector<1x16xf32> to vector<16xf32>
      %swap3A_629 = vector.shape_cast %select_n3A_623 : vector<16xf32> to vector<1x16xf32>
      tpu.vector_store %arg8[%swap3A_625, %swap3A_626], %swap3A_629 {strides = array<i32>} : memref<16x16xf32, #tpu.memory_space<vmem>>, vector<1x16xf32>,
      %get3A_630 = arith.constant 11 : i32
      %get3A_631 = arith.index_cast %get3A_630 : i32 to index
      %get3A_632 = arith.constant 0 : index
      %get3A_633 = tpu.vector_load %arg8[%get3A_631, %get3A_632] {strides = array<i32>} : memref<16x16xf32, #tpu.memory_space<vmem>>, vector<1x16xf32>,
      %get3A_634 = vector.shape_cast %get3A_633 : vector<1x16xf32> to vector<16xf32>
      %slice3A_635 = vector.extract_strided_slice %get3A_453 {offsets = [11], sizes = [1], strides = [1]} : vector<16xf32> to vector<1xf32>
      %squeeze3A_636 = vector.extract %slice3A_635[0] : f32 from vector<1xf32>
      %max3A_637 = vector.broadcast %squeeze3A_636 : f32 to vector<16xf32>
      %max3A_638 = arith.maximumf %get3A_634, %max3A_637 : vector<16xf32>
      %select_n3A_639 = arith.select %eq3A_455, %max3A_638, %get3A_634 : vector<16xi1>, vector<16xf32>
      %swap3A_640 = arith.constant 11 : i32
      %swap3A_641 = arith.index_cast %swap3A_640 : i32 to index
      %swap3A_642 = arith.constant 0 : index
      %swap3A_643 = tpu.vector_load %arg8[%swap3A_641, %swap3A_642] {strides = array<i32>} : memref<16x16xf32, #tpu.memory_space<vmem>>, vector<1x16xf32>,
      %swap3A_644 = vector.shape_cast %swap3A_643 : vector<1x16xf32> to vector<16xf32>
      %swap3A_645 = vector.shape_cast %select_n3A_639 : vector<16xf32> to vector<1x16xf32>
      tpu.vector_store %arg8[%swap3A_641, %swap3A_642], %swap3A_645 {strides = array<i32>} : memref<16x16xf32, #tpu.memory_space<vmem>>, vector<1x16xf32>,
      %get3A_646 = arith.constant 12 : i32
      %get3A_647 = arith.index_cast %get3A_646 : i32 to index
      %get3A_648 = arith.constant 0 : index
      %get3A_649 = tpu.vector_load %arg8[%get3A_647, %get3A_648] {strides = array<i32>} : memref<16x16xf32, #tpu.memory_space<vmem>>, vector<1x16xf32>,
      %get3A_650 = vector.shape_cast %get3A_649 : vector<1x16xf32> to vector<16xf32>
      %slice3A_651 = vector.extract_strided_slice %get3A_453 {offsets = [12], sizes = [1], strides = [1]} : vector<16xf32> to vector<1xf32>
      %squeeze3A_652 = vector.extract %slice3A_651[0] : f32 from vector<1xf32>
      %max3A_653 = vector.broadcast %squeeze3A_652 : f32 to vector<16xf32>
      %max3A_654 = arith.maximumf %get3A_650, %max3A_653 : vector<16xf32>
      %select_n3A_655 = arith.select %eq3A_455, %max3A_654, %get3A_650 : vector<16xi1>, vector<16xf32>
      %swap3A_656 = arith.constant 12 : i32
      %swap3A_657 = arith.index_cast %swap3A_656 : i32 to index
      %swap3A_658 = arith.constant 0 : index
      %swap3A_659 = tpu.vector_load %arg8[%swap3A_657, %swap3A_658] {strides = array<i32>} : memref<16x16xf32, #tpu.memory_space<vmem>>, vector<1x16xf32>,
      %swap3A_660 = vector.shape_cast %swap3A_659 : vector<1x16xf32> to vector<16xf32>
      %swap3A_661 = vector.shape_cast %select_n3A_655 : vector<16xf32> to vector<1x16xf32>
      tpu.vector_store %arg8[%swap3A_657, %swap3A_658], %swap3A_661 {strides = array<i32>} : memref<16x16xf32, #tpu.memory_space<vmem>>, vector<1x16xf32>,
      %get3A_662 = arith.constant 13 : i32
      %get3A_663 = arith.index_cast %get3A_662 : i32 to index
      %get3A_664 = arith.constant 0 : index
      %get3A_665 = tpu.vector_load %arg8[%get3A_663, %get3A_664] {strides = array<i32>} : memref<16x16xf32, #tpu.memory_space<vmem>>, vector<1x16xf32>,
      %get3A_666 = vector.shape_cast %get3A_665 : vector<1x16xf32> to vector<16xf32>
      %slice3A_667 = vector.extract_strided_slice %get3A_453 {offsets = [13], sizes = [1], strides = [1]} : vector<16xf32> to vector<1xf32>
      %squeeze3A_668 = vector.extract %slice3A_667[0] : f32 from vector<1xf32>
      %max3A_669 = vector.broadcast %squeeze3A_668 : f32 to vector<16xf32>
      %max3A_670 = arith.maximumf %get3A_666, %max3A_669 : vector<16xf32>
      %select_n3A_671 = arith.select %eq3A_455, %max3A_670, %get3A_666 : vector<16xi1>, vector<16xf32>
      %swap3A_672 = arith.constant 13 : i32
      %swap3A_673 = arith.index_cast %swap3A_672 : i32 to index
      %swap3A_674 = arith.constant 0 : index
      %swap3A_675 = tpu.vector_load %arg8[%swap3A_673, %swap3A_674] {strides = array<i32>} : memref<16x16xf32, #tpu.memory_space<vmem>>, vector<1x16xf32>,
      %swap3A_676 = vector.shape_cast %swap3A_675 : vector<1x16xf32> to vector<16xf32>
      %swap3A_677 = vector.shape_cast %select_n3A_671 : vector<16xf32> to vector<1x16xf32>
      tpu.vector_store %arg8[%swap3A_673, %swap3A_674], %swap3A_677 {strides = array<i32>} : memref<16x16xf32, #tpu.memory_space<vmem>>, vector<1x16xf32>,
      %get3A_678 = arith.constant 14 : i32
      %get3A_679 = arith.index_cast %get3A_678 : i32 to index
      %get3A_680 = arith.constant 0 : index
      %get3A_681 = tpu.vector_load %arg8[%get3A_679, %get3A_680] {strides = array<i32>} : memref<16x16xf32, #tpu.memory_space<vmem>>, vector<1x16xf32>,
      %get3A_682 = vector.shape_cast %get3A_681 : vector<1x16xf32> to vector<16xf32>
      %slice3A_683 = vector.extract_strided_slice %get3A_453 {offsets = [14], sizes = [1], strides = [1]} : vector<16xf32> to vector<1xf32>
      %squeeze3A_684 = vector.extract %slice3A_683[0] : f32 from vector<1xf32>
      %max3A_685 = vector.broadcast %squeeze3A_684 : f32 to vector<16xf32>
      %max3A_686 = arith.maximumf %get3A_682, %max3A_685 : vector<16xf32>
      %select_n3A_687 = arith.select %eq3A_455, %max3A_686, %get3A_682 : vector<16xi1>, vector<16xf32>
      %swap3A_688 = arith.constant 14 : i32
      %swap3A_689 = arith.index_cast %swap3A_688 : i32 to index
      %swap3A_690 = arith.constant 0 : index
      %swap3A_691 = tpu.vector_load %arg8[%swap3A_689, %swap3A_690] {strides = array<i32>} : memref<16x16xf32, #tpu.memory_space<vmem>>, vector<1x16xf32>,
      %swap3A_692 = vector.shape_cast %swap3A_691 : vector<1x16xf32> to vector<16xf32>
      %swap3A_693 = vector.shape_cast %select_n3A_687 : vector<16xf32> to vector<1x16xf32>
      tpu.vector_store %arg8[%swap3A_689, %swap3A_690], %swap3A_693 {strides = array<i32>} : memref<16x16xf32, #tpu.memory_space<vmem>>, vector<1x16xf32>,
      %get3A_694 = arith.constant 15 : i32
      %get3A_695 = arith.index_cast %get3A_694 : i32 to index
      %get3A_696 = arith.constant 0 : index
      %get3A_697 = tpu.vector_load %arg8[%get3A_695, %get3A_696] {strides = array<i32>} : memref<16x16xf32, #tpu.memory_space<vmem>>, vector<1x16xf32>,
      %get3A_698 = vector.shape_cast %get3A_697 : vector<1x16xf32> to vector<16xf32>
      %slice3A_699 = vector.extract_strided_slice %get3A_453 {offsets = [15], sizes = [1], strides = [1]} : vector<16xf32> to vector<1xf32>
      %squeeze3A_700 = vector.extract %slice3A_699[0] : f32 from vector<1xf32>
      %max3A_701 = vector.broadcast %squeeze3A_700 : f32 to vector<16xf32>
      %max3A_702 = arith.maximumf %get3A_698, %max3A_701 : vector<16xf32>
      %select_n3A_703 = arith.select %eq3A_455, %max3A_702, %get3A_698 : vector<16xi1>, vector<16xf32>
      %swap3A_704 = arith.constant 15 : i32
      %swap3A_705 = arith.index_cast %swap3A_704 : i32 to index
      %swap3A_706 = arith.constant 0 : index
      %swap3A_707 = tpu.vector_load %arg8[%swap3A_705, %swap3A_706] {strides = array<i32>} : memref<16x16xf32, #tpu.memory_space<vmem>>, vector<1x16xf32>,
      %swap3A_708 = vector.shape_cast %swap3A_707 : vector<1x16xf32> to vector<16xf32>
      %swap3A_709 = vector.shape_cast %select_n3A_703 : vector<16xf32> to vector<1x16xf32>
      tpu.vector_store %arg8[%swap3A_705, %swap3A_706], %swap3A_709 {strides = array<i32>} : memref<16x16xf32, #tpu.memory_space<vmem>>, vector<1x16xf32>,
      %add3A_710 = arith.constant 0 : i32
      %add3A_711 = arith.addi %multiple_of3A, %add3A_710 : i32
      %dma_start3A_712 = arith.constant 0 : i32
      %dma_start3A_713 = arith.constant 0 : i32
      %dma_start3A_714 = tpu.memref_slice %arg8[%dma_start3A_712, %dma_start3A_713] : memref<16x16xf32, #tpu.memory_space<vmem>> -> memref<1x16xf32, #tpu.memory_space<vmem>>
      %dma_start3A_715 = tpu.memref_squeeze %dma_start3A_714 : memref<1x16xf32, #tpu.memory_space<vmem>> -> memref<16xf32, #tpu.memory_space<vmem>>
      %dma_start3A_716 = tpu.memref_slice %arg4[%select_n3A, %add3A_711, %squeeze3A, %multiple_of3A_67] : memref<8x64x256x256xf32, #tpu.memory_space<hbm>> -> memref<1x1x1x16xf32, #tpu.memory_space<hbm>>
      %dma_start3A_717 = tpu.memref_squeeze %dma_start3A_716 : memref<1x1x1x16xf32, #tpu.memory_space<hbm>> -> memref<16xf32, #tpu.memory_space<hbm>>
      %dma_start3A_718 = tpu.memref_slice %arg4[%select_n3A, %add3A_711, %squeeze3A, %multiple_of3A_67] : memref<8x64x256x256xf32, #tpu.memory_space<hbm>> -> memref<1x1x1x16xf32, #tpu.memory_space<hbm>>
      %dma_start3A_719 = tpu.memref_squeeze %dma_start3A_718 : memref<1x1x1x16xf32, #tpu.memory_space<hbm>> -> memref<16xf32, #tpu.memory_space<hbm>>
      %dma_start3A_720 = arith.constant 0 : i32
      %dma_start3A_721 = tpu.memref_slice %arg8[%dma_start3A_712, %dma_start3A_720] : memref<16x16xf32, #tpu.memory_space<vmem>> -> memref<1x16xf32, #tpu.memory_space<vmem>>
      %dma_start3A_722 = tpu.memref_squeeze %dma_start3A_721 : memref<1x16xf32, #tpu.memory_space<vmem>> -> memref<16xf32, #tpu.memory_space<vmem>>
      tpu.enqueue_dma source(%dma_start3A_722 : memref<16xf32, #tpu.memory_space<vmem>>) target(%dma_start3A_719 : memref<16xf32, #tpu.memory_space<hbm>>) target_semaphore(%arg9 : memref<!tpu.dma_semaphore, #tpu.memory_space<semaphore_mem>>)
      %add3A_723 = arith.constant 1 : i32
      %add3A_724 = arith.addi %multiple_of3A, %add3A_723 : i32
      %dma_start3A_725 = arith.constant 1 : i32
      %dma_start3A_726 = arith.constant 0 : i32
      %dma_start3A_727 = tpu.memref_slice %arg8[%dma_start3A_725, %dma_start3A_726] : memref<16x16xf32, #tpu.memory_space<vmem>> -> memref<1x16xf32, #tpu.memory_space<vmem>>
      %dma_start3A_728 = tpu.memref_squeeze %dma_start3A_727 : memref<1x16xf32, #tpu.memory_space<vmem>> -> memref<16xf32, #tpu.memory_space<vmem>>
      %dma_start3A_729 = tpu.memref_slice %arg4[%select_n3A, %add3A_724, %squeeze3A, %multiple_of3A_67] : memref<8x64x256x256xf32, #tpu.memory_space<hbm>> -> memref<1x1x1x16xf32, #tpu.memory_space<hbm>>
      %dma_start3A_730 = tpu.memref_squeeze %dma_start3A_729 : memref<1x1x1x16xf32, #tpu.memory_space<hbm>> -> memref<16xf32, #tpu.memory_space<hbm>>
      %dma_start3A_731 = tpu.memref_slice %arg4[%select_n3A, %add3A_724, %squeeze3A, %multiple_of3A_67] : memref<8x64x256x256xf32, #tpu.memory_space<hbm>> -> memref<1x1x1x16xf32, #tpu.memory_space<hbm>>
      %dma_start3A_732 = tpu.memref_squeeze %dma_start3A_731 : memref<1x1x1x16xf32, #tpu.memory_space<hbm>> -> memref<16xf32, #tpu.memory_space<hbm>>
      %dma_start3A_733 = arith.constant 0 : i32
      %dma_start3A_734 = tpu.memref_slice %arg8[%dma_start3A_725, %dma_start3A_733] : memref<16x16xf32, #tpu.memory_space<vmem>> -> memref<1x16xf32, #tpu.memory_space<vmem>>
      %dma_start3A_735 = tpu.memref_squeeze %dma_start3A_734 : memref<1x16xf32, #tpu.memory_space<vmem>> -> memref<16xf32, #tpu.memory_space<vmem>>
      tpu.enqueue_dma source(%dma_start3A_735 : memref<16xf32, #tpu.memory_space<vmem>>) target(%dma_start3A_732 : memref<16xf32, #tpu.memory_space<hbm>>) target_semaphore(%arg9 : memref<!tpu.dma_semaphore, #tpu.memory_space<semaphore_mem>>)
      %add3A_736 = arith.constant 2 : i32
      %add3A_737 = arith.addi %multiple_of3A, %add3A_736 : i32
      %dma_start3A_738 = arith.constant 2 : i32
      %dma_start3A_739 = arith.constant 0 : i32
      %dma_start3A_740 = tpu.memref_slice %arg8[%dma_start3A_738, %dma_start3A_739] : memref<16x16xf32, #tpu.memory_space<vmem>> -> memref<1x16xf32, #tpu.memory_space<vmem>>
      %dma_start3A_741 = tpu.memref_squeeze %dma_start3A_740 : memref<1x16xf32, #tpu.memory_space<vmem>> -> memref<16xf32, #tpu.memory_space<vmem>>
      %dma_start3A_742 = tpu.memref_slice %arg4[%select_n3A, %add3A_737, %squeeze3A, %multiple_of3A_67] : memref<8x64x256x256xf32, #tpu.memory_space<hbm>> -> memref<1x1x1x16xf32, #tpu.memory_space<hbm>>
      %dma_start3A_743 = tpu.memref_squeeze %dma_start3A_742 : memref<1x1x1x16xf32, #tpu.memory_space<hbm>> -> memref<16xf32, #tpu.memory_space<hbm>>
      %dma_start3A_744 = tpu.memref_slice %arg4[%select_n3A, %add3A_737, %squeeze3A, %multiple_of3A_67] : memref<8x64x256x256xf32, #tpu.memory_space<hbm>> -> memref<1x1x1x16xf32, #tpu.memory_space<hbm>>
      %dma_start3A_745 = tpu.memref_squeeze %dma_start3A_744 : memref<1x1x1x16xf32, #tpu.memory_space<hbm>> -> memref<16xf32, #tpu.memory_space<hbm>>
      %dma_start3A_746 = arith.constant 0 : i32
      %dma_start3A_747 = tpu.memref_slice %arg8[%dma_start3A_738, %dma_start3A_746] : memref<16x16xf32, #tpu.memory_space<vmem>> -> memref<1x16xf32, #tpu.memory_space<vmem>>
      %dma_start3A_748 = tpu.memref_squeeze %dma_start3A_747 : memref<1x16xf32, #tpu.memory_space<vmem>> -> memref<16xf32, #tpu.memory_space<vmem>>
      tpu.enqueue_dma source(%dma_start3A_748 : memref<16xf32, #tpu.memory_space<vmem>>) target(%dma_start3A_745 : memref<16xf32, #tpu.memory_space<hbm>>) target_semaphore(%arg9 : memref<!tpu.dma_semaphore, #tpu.memory_space<semaphore_mem>>)
      %add3A_749 = arith.constant 3 : i32
      %add3A_750 = arith.addi %multiple_of3A, %add3A_749 : i32
      %dma_start3A_751 = arith.constant 3 : i32
      %dma_start3A_752 = arith.constant 0 : i32
      %dma_start3A_753 = tpu.memref_slice %arg8[%dma_start3A_751, %dma_start3A_752] : memref<16x16xf32, #tpu.memory_space<vmem>> -> memref<1x16xf32, #tpu.memory_space<vmem>>
      %dma_start3A_754 = tpu.memref_squeeze %dma_start3A_753 : memref<1x16xf32, #tpu.memory_space<vmem>> -> memref<16xf32, #tpu.memory_space<vmem>>
      %dma_start3A_755 = tpu.memref_slice %arg4[%select_n3A, %add3A_750, %squeeze3A, %multiple_of3A_67] : memref<8x64x256x256xf32, #tpu.memory_space<hbm>> -> memref<1x1x1x16xf32, #tpu.memory_space<hbm>>
      %dma_start3A_756 = tpu.memref_squeeze %dma_start3A_755 : memref<1x1x1x16xf32, #tpu.memory_space<hbm>> -> memref<16xf32, #tpu.memory_space<hbm>>
      %dma_start3A_757 = tpu.memref_slice %arg4[%select_n3A, %add3A_750, %squeeze3A, %multiple_of3A_67] : memref<8x64x256x256xf32, #tpu.memory_space<hbm>> -> memref<1x1x1x16xf32, #tpu.memory_space<hbm>>
      %dma_start3A_758 = tpu.memref_squeeze %dma_start3A_757 : memref<1x1x1x16xf32, #tpu.memory_space<hbm>> -> memref<16xf32, #tpu.memory_space<hbm>>
      %dma_start3A_759 = arith.constant 0 : i32
      %dma_start3A_760 = tpu.memref_slice %arg8[%dma_start3A_751, %dma_start3A_759] : memref<16x16xf32, #tpu.memory_space<vmem>> -> memref<1x16xf32, #tpu.memory_space<vmem>>
      %dma_start3A_761 = tpu.memref_squeeze %dma_start3A_760 : memref<1x16xf32, #tpu.memory_space<vmem>> -> memref<16xf32, #tpu.memory_space<vmem>>
      tpu.enqueue_dma source(%dma_start3A_761 : memref<16xf32, #tpu.memory_space<vmem>>) target(%dma_start3A_758 : memref<16xf32, #tpu.memory_space<hbm>>) target_semaphore(%arg9 : memref<!tpu.dma_semaphore, #tpu.memory_space<semaphore_mem>>)
      %add3A_762 = arith.constant 4 : i32
      %add3A_763 = arith.addi %multiple_of3A, %add3A_762 : i32
      %dma_start3A_764 = arith.constant 4 : i32
      %dma_start3A_765 = arith.constant 0 : i32
      %dma_start3A_766 = tpu.memref_slice %arg8[%dma_start3A_764, %dma_start3A_765] : memref<16x16xf32, #tpu.memory_space<vmem>> -> memref<1x16xf32, #tpu.memory_space<vmem>>
      %dma_start3A_767 = tpu.memref_squeeze %dma_start3A_766 : memref<1x16xf32, #tpu.memory_space<vmem>> -> memref<16xf32, #tpu.memory_space<vmem>>
      %dma_start3A_768 = tpu.memref_slice %arg4[%select_n3A, %add3A_763, %squeeze3A, %multiple_of3A_67] : memref<8x64x256x256xf32, #tpu.memory_space<hbm>> -> memref<1x1x1x16xf32, #tpu.memory_space<hbm>>
      %dma_start3A_769 = tpu.memref_squeeze %dma_start3A_768 : memref<1x1x1x16xf32, #tpu.memory_space<hbm>> -> memref<16xf32, #tpu.memory_space<hbm>>
      %dma_start3A_770 = tpu.memref_slice %arg4[%select_n3A, %add3A_763, %squeeze3A, %multiple_of3A_67] : memref<8x64x256x256xf32, #tpu.memory_space<hbm>> -> memref<1x1x1x16xf32, #tpu.memory_space<hbm>>
      %dma_start3A_771 = tpu.memref_squeeze %dma_start3A_770 : memref<1x1x1x16xf32, #tpu.memory_space<hbm>> -> memref<16xf32, #tpu.memory_space<hbm>>
      %dma_start3A_772 = arith.constant 0 : i32
      %dma_start3A_773 = tpu.memref_slice %arg8[%dma_start3A_764, %dma_start3A_772] : memref<16x16xf32, #tpu.memory_space<vmem>> -> memref<1x16xf32, #tpu.memory_space<vmem>>
      %dma_start3A_774 = tpu.memref_squeeze %dma_start3A_773 : memref<1x16xf32, #tpu.memory_space<vmem>> -> memref<16xf32, #tpu.memory_space<vmem>>
      tpu.enqueue_dma source(%dma_start3A_774 : memref<16xf32, #tpu.memory_space<vmem>>) target(%dma_start3A_771 : memref<16xf32, #tpu.memory_space<hbm>>) target_semaphore(%arg9 : memref<!tpu.dma_semaphore, #tpu.memory_space<semaphore_mem>>)
      %add3A_775 = arith.constant 5 : i32
      %add3A_776 = arith.addi %multiple_of3A, %add3A_775 : i32
      %dma_start3A_777 = arith.constant 5 : i32
      %dma_start3A_778 = arith.constant 0 : i32
      %dma_start3A_779 = tpu.memref_slice %arg8[%dma_start3A_777, %dma_start3A_778] : memref<16x16xf32, #tpu.memory_space<vmem>> -> memref<1x16xf32, #tpu.memory_space<vmem>>
      %dma_start3A_780 = tpu.memref_squeeze %dma_start3A_779 : memref<1x16xf32, #tpu.memory_space<vmem>> -> memref<16xf32, #tpu.memory_space<vmem>>
      %dma_start3A_781 = tpu.memref_slice %arg4[%select_n3A, %add3A_776, %squeeze3A, %multiple_of3A_67] : memref<8x64x256x256xf32, #tpu.memory_space<hbm>> -> memref<1x1x1x16xf32, #tpu.memory_space<hbm>>
      %dma_start3A_782 = tpu.memref_squeeze %dma_start3A_781 : memref<1x1x1x16xf32, #tpu.memory_space<hbm>> -> memref<16xf32, #tpu.memory_space<hbm>>
      %dma_start3A_783 = tpu.memref_slice %arg4[%select_n3A, %add3A_776, %squeeze3A, %multiple_of3A_67] : memref<8x64x256x256xf32, #tpu.memory_space<hbm>> -> memref<1x1x1x16xf32, #tpu.memory_space<hbm>>
      %dma_start3A_784 = tpu.memref_squeeze %dma_start3A_783 : memref<1x1x1x16xf32, #tpu.memory_space<hbm>> -> memref<16xf32, #tpu.memory_space<hbm>>
      %dma_start3A_785 = arith.constant 0 : i32
      %dma_start3A_786 = tpu.memref_slice %arg8[%dma_start3A_777, %dma_start3A_785] : memref<16x16xf32, #tpu.memory_space<vmem>> -> memref<1x16xf32, #tpu.memory_space<vmem>>
      %dma_start3A_787 = tpu.memref_squeeze %dma_start3A_786 : memref<1x16xf32, #tpu.memory_space<vmem>> -> memref<16xf32, #tpu.memory_space<vmem>>
      tpu.enqueue_dma source(%dma_start3A_787 : memref<16xf32, #tpu.memory_space<vmem>>) target(%dma_start3A_784 : memref<16xf32, #tpu.memory_space<hbm>>) target_semaphore(%arg9 : memref<!tpu.dma_semaphore, #tpu.memory_space<semaphore_mem>>)
      %add3A_788 = arith.constant 6 : i32
      %add3A_789 = arith.addi %multiple_of3A, %add3A_788 : i32
      %dma_start3A_790 = arith.constant 6 : i32
      %dma_start3A_791 = arith.constant 0 : i32
      %dma_start3A_792 = tpu.memref_slice %arg8[%dma_start3A_790, %dma_start3A_791] : memref<16x16xf32, #tpu.memory_space<vmem>> -> memref<1x16xf32, #tpu.memory_space<vmem>>
      %dma_start3A_793 = tpu.memref_squeeze %dma_start3A_792 : memref<1x16xf32, #tpu.memory_space<vmem>> -> memref<16xf32, #tpu.memory_space<vmem>>
      %dma_start3A_794 = tpu.memref_slice %arg4[%select_n3A, %add3A_789, %squeeze3A, %multiple_of3A_67] : memref<8x64x256x256xf32, #tpu.memory_space<hbm>> -> memref<1x1x1x16xf32, #tpu.memory_space<hbm>>
      %dma_start3A_795 = tpu.memref_squeeze %dma_start3A_794 : memref<1x1x1x16xf32, #tpu.memory_space<hbm>> -> memref<16xf32, #tpu.memory_space<hbm>>
      %dma_start3A_796 = tpu.memref_slice %arg4[%select_n3A, %add3A_789, %squeeze3A, %multiple_of3A_67] : memref<8x64x256x256xf32, #tpu.memory_space<hbm>> -> memref<1x1x1x16xf32, #tpu.memory_space<hbm>>
      %dma_start3A_797 = tpu.memref_squeeze %dma_start3A_796 : memref<1x1x1x16xf32, #tpu.memory_space<hbm>> -> memref<16xf32, #tpu.memory_space<hbm>>
      %dma_start3A_798 = arith.constant 0 : i32
      %dma_start3A_799 = tpu.memref_slice %arg8[%dma_start3A_790, %dma_start3A_798] : memref<16x16xf32, #tpu.memory_space<vmem>> -> memref<1x16xf32, #tpu.memory_space<vmem>>
      %dma_start3A_800 = tpu.memref_squeeze %dma_start3A_799 : memref<1x16xf32, #tpu.memory_space<vmem>> -> memref<16xf32, #tpu.memory_space<vmem>>
      tpu.enqueue_dma source(%dma_start3A_800 : memref<16xf32, #tpu.memory_space<vmem>>) target(%dma_start3A_797 : memref<16xf32, #tpu.memory_space<hbm>>) target_semaphore(%arg9 : memref<!tpu.dma_semaphore, #tpu.memory_space<semaphore_mem>>)
      %add3A_801 = arith.constant 7 : i32
      %add3A_802 = arith.addi %multiple_of3A, %add3A_801 : i32
      %dma_start3A_803 = arith.constant 7 : i32
      %dma_start3A_804 = arith.constant 0 : i32
      %dma_start3A_805 = tpu.memref_slice %arg8[%dma_start3A_803, %dma_start3A_804] : memref<16x16xf32, #tpu.memory_space<vmem>> -> memref<1x16xf32, #tpu.memory_space<vmem>>
      %dma_start3A_806 = tpu.memref_squeeze %dma_start3A_805 : memref<1x16xf32, #tpu.memory_space<vmem>> -> memref<16xf32, #tpu.memory_space<vmem>>
      %dma_start3A_807 = tpu.memref_slice %arg4[%select_n3A, %add3A_802, %squeeze3A, %multiple_of3A_67] : memref<8x64x256x256xf32, #tpu.memory_space<hbm>> -> memref<1x1x1x16xf32, #tpu.memory_space<hbm>>
      %dma_start3A_808 = tpu.memref_squeeze %dma_start3A_807 : memref<1x1x1x16xf32, #tpu.memory_space<hbm>> -> memref<16xf32, #tpu.memory_space<hbm>>
      %dma_start3A_809 = tpu.memref_slice %arg4[%select_n3A, %add3A_802, %squeeze3A, %multiple_of3A_67] : memref<8x64x256x256xf32, #tpu.memory_space<hbm>> -> memref<1x1x1x16xf32, #tpu.memory_space<hbm>>
      %dma_start3A_810 = tpu.memref_squeeze %dma_start3A_809 : memref<1x1x1x16xf32, #tpu.memory_space<hbm>> -> memref<16xf32, #tpu.memory_space<hbm>>
      %dma_start3A_811 = arith.constant 0 : i32
      %dma_start3A_812 = tpu.memref_slice %arg8[%dma_start3A_803, %dma_start3A_811] : memref<16x16xf32, #tpu.memory_space<vmem>> -> memref<1x16xf32, #tpu.memory_space<vmem>>
      %dma_start3A_813 = tpu.memref_squeeze %dma_start3A_812 : memref<1x16xf32, #tpu.memory_space<vmem>> -> memref<16xf32, #tpu.memory_space<vmem>>
      tpu.enqueue_dma source(%dma_start3A_813 : memref<16xf32, #tpu.memory_space<vmem>>) target(%dma_start3A_810 : memref<16xf32, #tpu.memory_space<hbm>>) target_semaphore(%arg9 : memref<!tpu.dma_semaphore, #tpu.memory_space<semaphore_mem>>)
      %add3A_814 = arith.constant 8 : i32
      %add3A_815 = arith.addi %multiple_of3A, %add3A_814 : i32
      %dma_start3A_816 = arith.constant 8 : i32
      %dma_start3A_817 = arith.constant 0 : i32
      %dma_start3A_818 = tpu.memref_slice %arg8[%dma_start3A_816, %dma_start3A_817] : memref<16x16xf32, #tpu.memory_space<vmem>> -> memref<1x16xf32, #tpu.memory_space<vmem>>
      %dma_start3A_819 = tpu.memref_squeeze %dma_start3A_818 : memref<1x16xf32, #tpu.memory_space<vmem>> -> memref<16xf32, #tpu.memory_space<vmem>>
      %dma_start3A_820 = tpu.memref_slice %arg4[%select_n3A, %add3A_815, %squeeze3A, %multiple_of3A_67] : memref<8x64x256x256xf32, #tpu.memory_space<hbm>> -> memref<1x1x1x16xf32, #tpu.memory_space<hbm>>
      %dma_start3A_821 = tpu.memref_squeeze %dma_start3A_820 : memref<1x1x1x16xf32, #tpu.memory_space<hbm>> -> memref<16xf32, #tpu.memory_space<hbm>>
      %dma_start3A_822 = tpu.memref_slice %arg4[%select_n3A, %add3A_815, %squeeze3A, %multiple_of3A_67] : memref<8x64x256x256xf32, #tpu.memory_space<hbm>> -> memref<1x1x1x16xf32, #tpu.memory_space<hbm>>
      %dma_start3A_823 = tpu.memref_squeeze %dma_start3A_822 : memref<1x1x1x16xf32, #tpu.memory_space<hbm>> -> memref<16xf32, #tpu.memory_space<hbm>>
      %dma_start3A_824 = arith.constant 0 : i32
      %dma_start3A_825 = tpu.memref_slice %arg8[%dma_start3A_816, %dma_start3A_824] : memref<16x16xf32, #tpu.memory_space<vmem>> -> memref<1x16xf32, #tpu.memory_space<vmem>>
      %dma_start3A_826 = tpu.memref_squeeze %dma_start3A_825 : memref<1x16xf32, #tpu.memory_space<vmem>> -> memref<16xf32, #tpu.memory_space<vmem>>
      tpu.enqueue_dma source(%dma_start3A_826 : memref<16xf32, #tpu.memory_space<vmem>>) target(%dma_start3A_823 : memref<16xf32, #tpu.memory_space<hbm>>) target_semaphore(%arg9 : memref<!tpu.dma_semaphore, #tpu.memory_space<semaphore_mem>>)
      %add3A_827 = arith.constant 9 : i32
      %add3A_828 = arith.addi %multiple_of3A, %add3A_827 : i32
      %dma_start3A_829 = arith.constant 9 : i32
      %dma_start3A_830 = arith.constant 0 : i32
      %dma_start3A_831 = tpu.memref_slice %arg8[%dma_start3A_829, %dma_start3A_830] : memref<16x16xf32, #tpu.memory_space<vmem>> -> memref<1x16xf32, #tpu.memory_space<vmem>>
      %dma_start3A_832 = tpu.memref_squeeze %dma_start3A_831 : memref<1x16xf32, #tpu.memory_space<vmem>> -> memref<16xf32, #tpu.memory_space<vmem>>
      %dma_start3A_833 = tpu.memref_slice %arg4[%select_n3A, %add3A_828, %squeeze3A, %multiple_of3A_67] : memref<8x64x256x256xf32, #tpu.memory_space<hbm>> -> memref<1x1x1x16xf32, #tpu.memory_space<hbm>>
      %dma_start3A_834 = tpu.memref_squeeze %dma_start3A_833 : memref<1x1x1x16xf32, #tpu.memory_space<hbm>> -> memref<16xf32, #tpu.memory_space<hbm>>
      %dma_start3A_835 = tpu.memref_slice %arg4[%select_n3A, %add3A_828, %squeeze3A, %multiple_of3A_67] : memref<8x64x256x256xf32, #tpu.memory_space<hbm>> -> memref<1x1x1x16xf32, #tpu.memory_space<hbm>>
      %dma_start3A_836 = tpu.memref_squeeze %dma_start3A_835 : memref<1x1x1x16xf32, #tpu.memory_space<hbm>> -> memref<16xf32, #tpu.memory_space<hbm>>
      %dma_start3A_837 = arith.constant 0 : i32
      %dma_start3A_838 = tpu.memref_slice %arg8[%dma_start3A_829, %dma_start3A_837] : memref<16x16xf32, #tpu.memory_space<vmem>> -> memref<1x16xf32, #tpu.memory_space<vmem>>
      %dma_start3A_839 = tpu.memref_squeeze %dma_start3A_838 : memref<1x16xf32, #tpu.memory_space<vmem>> -> memref<16xf32, #tpu.memory_space<vmem>>
      tpu.enqueue_dma source(%dma_start3A_839 : memref<16xf32, #tpu.memory_space<vmem>>) target(%dma_start3A_836 : memref<16xf32, #tpu.memory_space<hbm>>) target_semaphore(%arg9 : memref<!tpu.dma_semaphore, #tpu.memory_space<semaphore_mem>>)
      %add3A_840 = arith.constant 10 : i32
      %add3A_841 = arith.addi %multiple_of3A, %add3A_840 : i32
      %dma_start3A_842 = arith.constant 10 : i32
      %dma_start3A_843 = arith.constant 0 : i32
      %dma_start3A_844 = tpu.memref_slice %arg8[%dma_start3A_842, %dma_start3A_843] : memref<16x16xf32, #tpu.memory_space<vmem>> -> memref<1x16xf32, #tpu.memory_space<vmem>>
      %dma_start3A_845 = tpu.memref_squeeze %dma_start3A_844 : memref<1x16xf32, #tpu.memory_space<vmem>> -> memref<16xf32, #tpu.memory_space<vmem>>
      %dma_start3A_846 = tpu.memref_slice %arg4[%select_n3A, %add3A_841, %squeeze3A, %multiple_of3A_67] : memref<8x64x256x256xf32, #tpu.memory_space<hbm>> -> memref<1x1x1x16xf32, #tpu.memory_space<hbm>>
      %dma_start3A_847 = tpu.memref_squeeze %dma_start3A_846 : memref<1x1x1x16xf32, #tpu.memory_space<hbm>> -> memref<16xf32, #tpu.memory_space<hbm>>
      %dma_start3A_848 = tpu.memref_slice %arg4[%select_n3A, %add3A_841, %squeeze3A, %multiple_of3A_67] : memref<8x64x256x256xf32, #tpu.memory_space<hbm>> -> memref<1x1x1x16xf32, #tpu.memory_space<hbm>>
      %dma_start3A_849 = tpu.memref_squeeze %dma_start3A_848 : memref<1x1x1x16xf32, #tpu.memory_space<hbm>> -> memref<16xf32, #tpu.memory_space<hbm>>
      %dma_start3A_850 = arith.constant 0 : i32
      %dma_start3A_851 = tpu.memref_slice %arg8[%dma_start3A_842, %dma_start3A_850] : memref<16x16xf32, #tpu.memory_space<vmem>> -> memref<1x16xf32, #tpu.memory_space<vmem>>
      %dma_start3A_852 = tpu.memref_squeeze %dma_start3A_851 : memref<1x16xf32, #tpu.memory_space<vmem>> -> memref<16xf32, #tpu.memory_space<vmem>>
      tpu.enqueue_dma source(%dma_start3A_852 : memref<16xf32, #tpu.memory_space<vmem>>) target(%dma_start3A_849 : memref<16xf32, #tpu.memory_space<hbm>>) target_semaphore(%arg9 : memref<!tpu.dma_semaphore, #tpu.memory_space<semaphore_mem>>)
      %add3A_853 = arith.constant 11 : i32
      %add3A_854 = arith.addi %multiple_of3A, %add3A_853 : i32
      %dma_start3A_855 = arith.constant 11 : i32
      %dma_start3A_856 = arith.constant 0 : i32
      %dma_start3A_857 = tpu.memref_slice %arg8[%dma_start3A_855, %dma_start3A_856] : memref<16x16xf32, #tpu.memory_space<vmem>> -> memref<1x16xf32, #tpu.memory_space<vmem>>
      %dma_start3A_858 = tpu.memref_squeeze %dma_start3A_857 : memref<1x16xf32, #tpu.memory_space<vmem>> -> memref<16xf32, #tpu.memory_space<vmem>>
      %dma_start3A_859 = tpu.memref_slice %arg4[%select_n3A, %add3A_854, %squeeze3A, %multiple_of3A_67] : memref<8x64x256x256xf32, #tpu.memory_space<hbm>> -> memref<1x1x1x16xf32, #tpu.memory_space<hbm>>
      %dma_start3A_860 = tpu.memref_squeeze %dma_start3A_859 : memref<1x1x1x16xf32, #tpu.memory_space<hbm>> -> memref<16xf32, #tpu.memory_space<hbm>>
      %dma_start3A_861 = tpu.memref_slice %arg4[%select_n3A, %add3A_854, %squeeze3A, %multiple_of3A_67] : memref<8x64x256x256xf32, #tpu.memory_space<hbm>> -> memref<1x1x1x16xf32, #tpu.memory_space<hbm>>
      %dma_start3A_862 = tpu.memref_squeeze %dma_start3A_861 : memref<1x1x1x16xf32, #tpu.memory_space<hbm>> -> memref<16xf32, #tpu.memory_space<hbm>>
      %dma_start3A_863 = arith.constant 0 : i32
      %dma_start3A_864 = tpu.memref_slice %arg8[%dma_start3A_855, %dma_start3A_863] : memref<16x16xf32, #tpu.memory_space<vmem>> -> memref<1x16xf32, #tpu.memory_space<vmem>>
      %dma_start3A_865 = tpu.memref_squeeze %dma_start3A_864 : memref<1x16xf32, #tpu.memory_space<vmem>> -> memref<16xf32, #tpu.memory_space<vmem>>
      tpu.enqueue_dma source(%dma_start3A_865 : memref<16xf32, #tpu.memory_space<vmem>>) target(%dma_start3A_862 : memref<16xf32, #tpu.memory_space<hbm>>) target_semaphore(%arg9 : memref<!tpu.dma_semaphore, #tpu.memory_space<semaphore_mem>>)
      %add3A_866 = arith.constant 12 : i32
      %add3A_867 = arith.addi %multiple_of3A, %add3A_866 : i32
      %dma_start3A_868 = arith.constant 12 : i32
      %dma_start3A_869 = arith.constant 0 : i32
      %dma_start3A_870 = tpu.memref_slice %arg8[%dma_start3A_868, %dma_start3A_869] : memref<16x16xf32, #tpu.memory_space<vmem>> -> memref<1x16xf32, #tpu.memory_space<vmem>>
      %dma_start3A_871 = tpu.memref_squeeze %dma_start3A_870 : memref<1x16xf32, #tpu.memory_space<vmem>> -> memref<16xf32, #tpu.memory_space<vmem>>
      %dma_start3A_872 = tpu.memref_slice %arg4[%select_n3A, %add3A_867, %squeeze3A, %multiple_of3A_67] : memref<8x64x256x256xf32, #tpu.memory_space<hbm>> -> memref<1x1x1x16xf32, #tpu.memory_space<hbm>>
      %dma_start3A_873 = tpu.memref_squeeze %dma_start3A_872 : memref<1x1x1x16xf32, #tpu.memory_space<hbm>> -> memref<16xf32, #tpu.memory_space<hbm>>
      %dma_start3A_874 = tpu.memref_slice %arg4[%select_n3A, %add3A_867, %squeeze3A, %multiple_of3A_67] : memref<8x64x256x256xf32, #tpu.memory_space<hbm>> -> memref<1x1x1x16xf32, #tpu.memory_space<hbm>>
      %dma_start3A_875 = tpu.memref_squeeze %dma_start3A_874 : memref<1x1x1x16xf32, #tpu.memory_space<hbm>> -> memref<16xf32, #tpu.memory_space<hbm>>
      %dma_start3A_876 = arith.constant 0 : i32
      %dma_start3A_877 = tpu.memref_slice %arg8[%dma_start3A_868, %dma_start3A_876] : memref<16x16xf32, #tpu.memory_space<vmem>> -> memref<1x16xf32, #tpu.memory_space<vmem>>
      %dma_start3A_878 = tpu.memref_squeeze %dma_start3A_877 : memref<1x16xf32, #tpu.memory_space<vmem>> -> memref<16xf32, #tpu.memory_space<vmem>>
      tpu.enqueue_dma source(%dma_start3A_878 : memref<16xf32, #tpu.memory_space<vmem>>) target(%dma_start3A_875 : memref<16xf32, #tpu.memory_space<hbm>>) target_semaphore(%arg9 : memref<!tpu.dma_semaphore, #tpu.memory_space<semaphore_mem>>)
      %add3A_879 = arith.constant 13 : i32
      %add3A_880 = arith.addi %multiple_of3A, %add3A_879 : i32
      %dma_start3A_881 = arith.constant 13 : i32
      %dma_start3A_882 = arith.constant 0 : i32
      %dma_start3A_883 = tpu.memref_slice %arg8[%dma_start3A_881, %dma_start3A_882] : memref<16x16xf32, #tpu.memory_space<vmem>> -> memref<1x16xf32, #tpu.memory_space<vmem>>
      %dma_start3A_884 = tpu.memref_squeeze %dma_start3A_883 : memref<1x16xf32, #tpu.memory_space<vmem>> -> memref<16xf32, #tpu.memory_space<vmem>>
      %dma_start3A_885 = tpu.memref_slice %arg4[%select_n3A, %add3A_880, %squeeze3A, %multiple_of3A_67] : memref<8x64x256x256xf32, #tpu.memory_space<hbm>> -> memref<1x1x1x16xf32, #tpu.memory_space<hbm>>
      %dma_start3A_886 = tpu.memref_squeeze %dma_start3A_885 : memref<1x1x1x16xf32, #tpu.memory_space<hbm>> -> memref<16xf32, #tpu.memory_space<hbm>>
      %dma_start3A_887 = tpu.memref_slice %arg4[%select_n3A, %add3A_880, %squeeze3A, %multiple_of3A_67] : memref<8x64x256x256xf32, #tpu.memory_space<hbm>> -> memref<1x1x1x16xf32, #tpu.memory_space<hbm>>
      %dma_start3A_888 = tpu.memref_squeeze %dma_start3A_887 : memref<1x1x1x16xf32, #tpu.memory_space<hbm>> -> memref<16xf32, #tpu.memory_space<hbm>>
      %dma_start3A_889 = arith.constant 0 : i32
      %dma_start3A_890 = tpu.memref_slice %arg8[%dma_start3A_881, %dma_start3A_889] : memref<16x16xf32, #tpu.memory_space<vmem>> -> memref<1x16xf32, #tpu.memory_space<vmem>>
      %dma_start3A_891 = tpu.memref_squeeze %dma_start3A_890 : memref<1x16xf32, #tpu.memory_space<vmem>> -> memref<16xf32, #tpu.memory_space<vmem>>
      tpu.enqueue_dma source(%dma_start3A_891 : memref<16xf32, #tpu.memory_space<vmem>>) target(%dma_start3A_888 : memref<16xf32, #tpu.memory_space<hbm>>) target_semaphore(%arg9 : memref<!tpu.dma_semaphore, #tpu.memory_space<semaphore_mem>>)
      %add3A_892 = arith.constant 14 : i32
      %add3A_893 = arith.addi %multiple_of3A, %add3A_892 : i32
      %dma_start3A_894 = arith.constant 14 : i32
      %dma_start3A_895 = arith.constant 0 : i32
      %dma_start3A_896 = tpu.memref_slice %arg8[%dma_start3A_894, %dma_start3A_895] : memref<16x16xf32, #tpu.memory_space<vmem>> -> memref<1x16xf32, #tpu.memory_space<vmem>>
      %dma_start3A_897 = tpu.memref_squeeze %dma_start3A_896 : memref<1x16xf32, #tpu.memory_space<vmem>> -> memref<16xf32, #tpu.memory_space<vmem>>
      %dma_start3A_898 = tpu.memref_slice %arg4[%select_n3A, %add3A_893, %squeeze3A, %multiple_of3A_67] : memref<8x64x256x256xf32, #tpu.memory_space<hbm>> -> memref<1x1x1x16xf32, #tpu.memory_space<hbm>>
      %dma_start3A_899 = tpu.memref_squeeze %dma_start3A_898 : memref<1x1x1x16xf32, #tpu.memory_space<hbm>> -> memref<16xf32, #tpu.memory_space<hbm>>
      %dma_start3A_900 = tpu.memref_slice %arg4[%select_n3A, %add3A_893, %squeeze3A, %multiple_of3A_67] : memref<8x64x256x256xf32, #tpu.memory_space<hbm>> -> memref<1x1x1x16xf32, #tpu.memory_space<hbm>>
      %dma_start3A_901 = tpu.memref_squeeze %dma_start3A_900 : memref<1x1x1x16xf32, #tpu.memory_space<hbm>> -> memref<16xf32, #tpu.memory_space<hbm>>
      %dma_start3A_902 = arith.constant 0 : i32
      %dma_start3A_903 = tpu.memref_slice %arg8[%dma_start3A_894, %dma_start3A_902] : memref<16x16xf32, #tpu.memory_space<vmem>> -> memref<1x16xf32, #tpu.memory_space<vmem>>
      %dma_start3A_904 = tpu.memref_squeeze %dma_start3A_903 : memref<1x16xf32, #tpu.memory_space<vmem>> -> memref<16xf32, #tpu.memory_space<vmem>>
      tpu.enqueue_dma source(%dma_start3A_904 : memref<16xf32, #tpu.memory_space<vmem>>) target(%dma_start3A_901 : memref<16xf32, #tpu.memory_space<hbm>>) target_semaphore(%arg9 : memref<!tpu.dma_semaphore, #tpu.memory_space<semaphore_mem>>)
      %add3A_905 = arith.constant 15 : i32
      %add3A_906 = arith.addi %multiple_of3A, %add3A_905 : i32
      %dma_start3A_907 = arith.constant 15 : i32
      %dma_start3A_908 = arith.constant 0 : i32
      %dma_start3A_909 = tpu.memref_slice %arg8[%dma_start3A_907, %dma_start3A_908] : memref<16x16xf32, #tpu.memory_space<vmem>> -> memref<1x16xf32, #tpu.memory_space<vmem>>
      %dma_start3A_910 = tpu.memref_squeeze %dma_start3A_909 : memref<1x16xf32, #tpu.memory_space<vmem>> -> memref<16xf32, #tpu.memory_space<vmem>>
      %dma_start3A_911 = tpu.memref_slice %arg4[%select_n3A, %add3A_906, %squeeze3A, %multiple_of3A_67] : memref<8x64x256x256xf32, #tpu.memory_space<hbm>> -> memref<1x1x1x16xf32, #tpu.memory_space<hbm>>
      %dma_start3A_912 = tpu.memref_squeeze %dma_start3A_911 : memref<1x1x1x16xf32, #tpu.memory_space<hbm>> -> memref<16xf32, #tpu.memory_space<hbm>>
      %dma_start3A_913 = tpu.memref_slice %arg4[%select_n3A, %add3A_906, %squeeze3A, %multiple_of3A_67] : memref<8x64x256x256xf32, #tpu.memory_space<hbm>> -> memref<1x1x1x16xf32, #tpu.memory_space<hbm>>
      %dma_start3A_914 = tpu.memref_squeeze %dma_start3A_913 : memref<1x1x1x16xf32, #tpu.memory_space<hbm>> -> memref<16xf32, #tpu.memory_space<hbm>>
      %dma_start3A_915 = arith.constant 0 : i32
      %dma_start3A_916 = tpu.memref_slice %arg8[%dma_start3A_907, %dma_start3A_915] : memref<16x16xf32, #tpu.memory_space<vmem>> -> memref<1x16xf32, #tpu.memory_space<vmem>>
      %dma_start3A_917 = tpu.memref_squeeze %dma_start3A_916 : memref<1x16xf32, #tpu.memory_space<vmem>> -> memref<16xf32, #tpu.memory_space<vmem>>
      tpu.enqueue_dma source(%dma_start3A_917 : memref<16xf32, #tpu.memory_space<vmem>>) target(%dma_start3A_914 : memref<16xf32, #tpu.memory_space<hbm>>) target_semaphore(%arg9 : memref<!tpu.dma_semaphore, #tpu.memory_space<semaphore_mem>>)
      %dma_wait3A_918 = arith.constant 0 : i32
      %dma_wait3A_919 = arith.constant 0 : i32
      %dma_wait3A_920 = tpu.memref_slice %arg8[%dma_wait3A_918, %dma_wait3A_919] : memref<16x16xf32, #tpu.memory_space<vmem>> -> memref<1x16xf32, #tpu.memory_space<vmem>>
      %dma_wait3A_921 = tpu.memref_squeeze %dma_wait3A_920 : memref<1x16xf32, #tpu.memory_space<vmem>> -> memref<16xf32, #tpu.memory_space<vmem>>
      %dma_wait3A_922 = tpu.memref_slice %arg4[%select_n3A, %add3A_711, %squeeze3A, %multiple_of3A_67] : memref<8x64x256x256xf32, #tpu.memory_space<hbm>> -> memref<1x1x1x16xf32, #tpu.memory_space<hbm>>
      %dma_wait3A_923 = tpu.memref_squeeze %dma_wait3A_922 : memref<1x1x1x16xf32, #tpu.memory_space<hbm>> -> memref<16xf32, #tpu.memory_space<hbm>>
      %dma_wait3A_924 = tpu.memref_slice %arg4[%select_n3A, %add3A_711, %squeeze3A, %multiple_of3A_67] : memref<8x64x256x256xf32, #tpu.memory_space<hbm>> -> memref<1x1x1x16xf32, #tpu.memory_space<hbm>>
      %dma_wait3A_925 = tpu.memref_squeeze %dma_wait3A_924 : memref<1x1x1x16xf32, #tpu.memory_space<hbm>> -> memref<16xf32, #tpu.memory_space<hbm>>
      %dma_wait3A_926 = arith.constant 0 : i32
      %dma_wait3A_927 = tpu.memref_slice %arg8[%dma_wait3A_918, %dma_wait3A_926] : memref<16x16xf32, #tpu.memory_space<vmem>> -> memref<1x16xf32, #tpu.memory_space<vmem>>
      %dma_wait3A_928 = tpu.memref_squeeze %dma_wait3A_927 : memref<1x16xf32, #tpu.memory_space<vmem>> -> memref<16xf32, #tpu.memory_space<vmem>>
      tpu.wait_dma2 semaphore(%arg9 : memref<!tpu.dma_semaphore, #tpu.memory_space<semaphore_mem>>) src(%dma_wait3A_928 : memref<16xf32, #tpu.memory_space<vmem>>) dst(%dma_wait3A_925 : memref<16xf32, #tpu.memory_space<hbm>>)
      %dma_wait3A_929 = arith.constant 1 : i32
      %dma_wait3A_930 = arith.constant 0 : i32
      %dma_wait3A_931 = tpu.memref_slice %arg8[%dma_wait3A_929, %dma_wait3A_930] : memref<16x16xf32, #tpu.memory_space<vmem>> -> memref<1x16xf32, #tpu.memory_space<vmem>>
      %dma_wait3A_932 = tpu.memref_squeeze %dma_wait3A_931 : memref<1x16xf32, #tpu.memory_space<vmem>> -> memref<16xf32, #tpu.memory_space<vmem>>
      %dma_wait3A_933 = tpu.memref_slice %arg4[%select_n3A, %add3A_724, %squeeze3A, %multiple_of3A_67] : memref<8x64x256x256xf32, #tpu.memory_space<hbm>> -> memref<1x1x1x16xf32, #tpu.memory_space<hbm>>
      %dma_wait3A_934 = tpu.memref_squeeze %dma_wait3A_933 : memref<1x1x1x16xf32, #tpu.memory_space<hbm>> -> memref<16xf32, #tpu.memory_space<hbm>>
      %dma_wait3A_935 = tpu.memref_slice %arg4[%select_n3A, %add3A_724, %squeeze3A, %multiple_of3A_67] : memref<8x64x256x256xf32, #tpu.memory_space<hbm>> -> memref<1x1x1x16xf32, #tpu.memory_space<hbm>>
      %dma_wait3A_936 = tpu.memref_squeeze %dma_wait3A_935 : memref<1x1x1x16xf32, #tpu.memory_space<hbm>> -> memref<16xf32, #tpu.memory_space<hbm>>
      %dma_wait3A_937 = arith.constant 0 : i32
      %dma_wait3A_938 = tpu.memref_slice %arg8[%dma_wait3A_929, %dma_wait3A_937] : memref<16x16xf32, #tpu.memory_space<vmem>> -> memref<1x16xf32, #tpu.memory_space<vmem>>
      %dma_wait3A_939 = tpu.memref_squeeze %dma_wait3A_938 : memref<1x16xf32, #tpu.memory_space<vmem>> -> memref<16xf32, #tpu.memory_space<vmem>>
      tpu.wait_dma2 semaphore(%arg9 : memref<!tpu.dma_semaphore, #tpu.memory_space<semaphore_mem>>) src(%dma_wait3A_939 : memref<16xf32, #tpu.memory_space<vmem>>) dst(%dma_wait3A_936 : memref<16xf32, #tpu.memory_space<hbm>>)
      %dma_wait3A_940 = arith.constant 2 : i32
      %dma_wait3A_941 = arith.constant 0 : i32
      %dma_wait3A_942 = tpu.memref_slice %arg8[%dma_wait3A_940, %dma_wait3A_941] : memref<16x16xf32, #tpu.memory_space<vmem>> -> memref<1x16xf32, #tpu.memory_space<vmem>>
      %dma_wait3A_943 = tpu.memref_squeeze %dma_wait3A_942 : memref<1x16xf32, #tpu.memory_space<vmem>> -> memref<16xf32, #tpu.memory_space<vmem>>
      %dma_wait3A_944 = tpu.memref_slice %arg4[%select_n3A, %add3A_737, %squeeze3A, %multiple_of3A_67] : memref<8x64x256x256xf32, #tpu.memory_space<hbm>> -> memref<1x1x1x16xf32, #tpu.memory_space<hbm>>
      %dma_wait3A_945 = tpu.memref_squeeze %dma_wait3A_944 : memref<1x1x1x16xf32, #tpu.memory_space<hbm>> -> memref<16xf32, #tpu.memory_space<hbm>>
      %dma_wait3A_946 = tpu.memref_slice %arg4[%select_n3A, %add3A_737, %squeeze3A, %multiple_of3A_67] : memref<8x64x256x256xf32, #tpu.memory_space<hbm>> -> memref<1x1x1x16xf32, #tpu.memory_space<hbm>>
      %dma_wait3A_947 = tpu.memref_squeeze %dma_wait3A_946 : memref<1x1x1x16xf32, #tpu.memory_space<hbm>> -> memref<16xf32, #tpu.memory_space<hbm>>
      %dma_wait3A_948 = arith.constant 0 : i32
      %dma_wait3A_949 = tpu.memref_slice %arg8[%dma_wait3A_940, %dma_wait3A_948] : memref<16x16xf32, #tpu.memory_space<vmem>> -> memref<1x16xf32, #tpu.memory_space<vmem>>
      %dma_wait3A_950 = tpu.memref_squeeze %dma_wait3A_949 : memref<1x16xf32, #tpu.memory_space<vmem>> -> memref<16xf32, #tpu.memory_space<vmem>>
      tpu.wait_dma2 semaphore(%arg9 : memref<!tpu.dma_semaphore, #tpu.memory_space<semaphore_mem>>) src(%dma_wait3A_950 : memref<16xf32, #tpu.memory_space<vmem>>) dst(%dma_wait3A_947 : memref<16xf32, #tpu.memory_space<hbm>>)
      %dma_wait3A_951 = arith.constant 3 : i32
      %dma_wait3A_952 = arith.constant 0 : i32
      %dma_wait3A_953 = tpu.memref_slice %arg8[%dma_wait3A_951, %dma_wait3A_952] : memref<16x16xf32, #tpu.memory_space<vmem>> -> memref<1x16xf32, #tpu.memory_space<vmem>>
      %dma_wait3A_954 = tpu.memref_squeeze %dma_wait3A_953 : memref<1x16xf32, #tpu.memory_space<vmem>> -> memref<16xf32, #tpu.memory_space<vmem>>
      %dma_wait3A_955 = tpu.memref_slice %arg4[%select_n3A, %add3A_750, %squeeze3A, %multiple_of3A_67] : memref<8x64x256x256xf32, #tpu.memory_space<hbm>> -> memref<1x1x1x16xf32, #tpu.memory_space<hbm>>
      %dma_wait3A_956 = tpu.memref_squeeze %dma_wait3A_955 : memref<1x1x1x16xf32, #tpu.memory_space<hbm>> -> memref<16xf32, #tpu.memory_space<hbm>>
      %dma_wait3A_957 = tpu.memref_slice %arg4[%select_n3A, %add3A_750, %squeeze3A, %multiple_of3A_67] : memref<8x64x256x256xf32, #tpu.memory_space<hbm>> -> memref<1x1x1x16xf32, #tpu.memory_space<hbm>>
      %dma_wait3A_958 = tpu.memref_squeeze %dma_wait3A_957 : memref<1x1x1x16xf32, #tpu.memory_space<hbm>> -> memref<16xf32, #tpu.memory_space<hbm>>
      %dma_wait3A_959 = arith.constant 0 : i32
      %dma_wait3A_960 = tpu.memref_slice %arg8[%dma_wait3A_951, %dma_wait3A_959] : memref<16x16xf32, #tpu.memory_space<vmem>> -> memref<1x16xf32, #tpu.memory_space<vmem>>
      %dma_wait3A_961 = tpu.memref_squeeze %dma_wait3A_960 : memref<1x16xf32, #tpu.memory_space<vmem>> -> memref<16xf32, #tpu.memory_space<vmem>>
      tpu.wait_dma2 semaphore(%arg9 : memref<!tpu.dma_semaphore, #tpu.memory_space<semaphore_mem>>) src(%dma_wait3A_961 : memref<16xf32, #tpu.memory_space<vmem>>) dst(%dma_wait3A_958 : memref<16xf32, #tpu.memory_space<hbm>>)
      %dma_wait3A_962 = arith.constant 4 : i32
      %dma_wait3A_963 = arith.constant 0 : i32
      %dma_wait3A_964 = tpu.memref_slice %arg8[%dma_wait3A_962, %dma_wait3A_963] : memref<16x16xf32, #tpu.memory_space<vmem>> -> memref<1x16xf32, #tpu.memory_space<vmem>>
      %dma_wait3A_965 = tpu.memref_squeeze %dma_wait3A_964 : memref<1x16xf32, #tpu.memory_space<vmem>> -> memref<16xf32, #tpu.memory_space<vmem>>
      %dma_wait3A_966 = tpu.memref_slice %arg4[%select_n3A, %add3A_763, %squeeze3A, %multiple_of3A_67] : memref<8x64x256x256xf32, #tpu.memory_space<hbm>> -> memref<1x1x1x16xf32, #tpu.memory_space<hbm>>
      %dma_wait3A_967 = tpu.memref_squeeze %dma_wait3A_966 : memref<1x1x1x16xf32, #tpu.memory_space<hbm>> -> memref<16xf32, #tpu.memory_space<hbm>>
      %dma_wait3A_968 = tpu.memref_slice %arg4[%select_n3A, %add3A_763, %squeeze3A, %multiple_of3A_67] : memref<8x64x256x256xf32, #tpu.memory_space<hbm>> -> memref<1x1x1x16xf32, #tpu.memory_space<hbm>>
      %dma_wait3A_969 = tpu.memref_squeeze %dma_wait3A_968 : memref<1x1x1x16xf32, #tpu.memory_space<hbm>> -> memref<16xf32, #tpu.memory_space<hbm>>
      %dma_wait3A_970 = arith.constant 0 : i32
      %dma_wait3A_971 = tpu.memref_slice %arg8[%dma_wait3A_962, %dma_wait3A_970] : memref<16x16xf32, #tpu.memory_space<vmem>> -> memref<1x16xf32, #tpu.memory_space<vmem>>
      %dma_wait3A_972 = tpu.memref_squeeze %dma_wait3A_971 : memref<1x16xf32, #tpu.memory_space<vmem>> -> memref<16xf32, #tpu.memory_space<vmem>>
      tpu.wait_dma2 semaphore(%arg9 : memref<!tpu.dma_semaphore, #tpu.memory_space<semaphore_mem>>) src(%dma_wait3A_972 : memref<16xf32, #tpu.memory_space<vmem>>) dst(%dma_wait3A_969 : memref<16xf32, #tpu.memory_space<hbm>>)
      %dma_wait3A_973 = arith.constant 5 : i32
      %dma_wait3A_974 = arith.constant 0 : i32
      %dma_wait3A_975 = tpu.memref_slice %arg8[%dma_wait3A_973, %dma_wait3A_974] : memref<16x16xf32, #tpu.memory_space<vmem>> -> memref<1x16xf32, #tpu.memory_space<vmem>>
      %dma_wait3A_976 = tpu.memref_squeeze %dma_wait3A_975 : memref<1x16xf32, #tpu.memory_space<vmem>> -> memref<16xf32, #tpu.memory_space<vmem>>
      %dma_wait3A_977 = tpu.memref_slice %arg4[%select_n3A, %add3A_776, %squeeze3A, %multiple_of3A_67] : memref<8x64x256x256xf32, #tpu.memory_space<hbm>> -> memref<1x1x1x16xf32, #tpu.memory_space<hbm>>
      %dma_wait3A_978 = tpu.memref_squeeze %dma_wait3A_977 : memref<1x1x1x16xf32, #tpu.memory_space<hbm>> -> memref<16xf32, #tpu.memory_space<hbm>>
      %dma_wait3A_979 = tpu.memref_slice %arg4[%select_n3A, %add3A_776, %squeeze3A, %multiple_of3A_67] : memref<8x64x256x256xf32, #tpu.memory_space<hbm>> -> memref<1x1x1x16xf32, #tpu.memory_space<hbm>>
      %dma_wait3A_980 = tpu.memref_squeeze %dma_wait3A_979 : memref<1x1x1x16xf32, #tpu.memory_space<hbm>> -> memref<16xf32, #tpu.memory_space<hbm>>
      %dma_wait3A_981 = arith.constant 0 : i32
      %dma_wait3A_982 = tpu.memref_slice %arg8[%dma_wait3A_973, %dma_wait3A_981] : memref<16x16xf32, #tpu.memory_space<vmem>> -> memref<1x16xf32, #tpu.memory_space<vmem>>
      %dma_wait3A_983 = tpu.memref_squeeze %dma_wait3A_982 : memref<1x16xf32, #tpu.memory_space<vmem>> -> memref<16xf32, #tpu.memory_space<vmem>>
      tpu.wait_dma2 semaphore(%arg9 : memref<!tpu.dma_semaphore, #tpu.memory_space<semaphore_mem>>) src(%dma_wait3A_983 : memref<16xf32, #tpu.memory_space<vmem>>) dst(%dma_wait3A_980 : memref<16xf32, #tpu.memory_space<hbm>>)
      %dma_wait3A_984 = arith.constant 6 : i32
      %dma_wait3A_985 = arith.constant 0 : i32
      %dma_wait3A_986 = tpu.memref_slice %arg8[%dma_wait3A_984, %dma_wait3A_985] : memref<16x16xf32, #tpu.memory_space<vmem>> -> memref<1x16xf32, #tpu.memory_space<vmem>>
      %dma_wait3A_987 = tpu.memref_squeeze %dma_wait3A_986 : memref<1x16xf32, #tpu.memory_space<vmem>> -> memref<16xf32, #tpu.memory_space<vmem>>
      %dma_wait3A_988 = tpu.memref_slice %arg4[%select_n3A, %add3A_789, %squeeze3A, %multiple_of3A_67] : memref<8x64x256x256xf32, #tpu.memory_space<hbm>> -> memref<1x1x1x16xf32, #tpu.memory_space<hbm>>
      %dma_wait3A_989 = tpu.memref_squeeze %dma_wait3A_988 : memref<1x1x1x16xf32, #tpu.memory_space<hbm>> -> memref<16xf32, #tpu.memory_space<hbm>>
      %dma_wait3A_990 = tpu.memref_slice %arg4[%select_n3A, %add3A_789, %squeeze3A, %multiple_of3A_67] : memref<8x64x256x256xf32, #tpu.memory_space<hbm>> -> memref<1x1x1x16xf32, #tpu.memory_space<hbm>>
      %dma_wait3A_991 = tpu.memref_squeeze %dma_wait3A_990 : memref<1x1x1x16xf32, #tpu.memory_space<hbm>> -> memref<16xf32, #tpu.memory_space<hbm>>
      %dma_wait3A_992 = arith.constant 0 : i32
      %dma_wait3A_993 = tpu.memref_slice %arg8[%dma_wait3A_984, %dma_wait3A_992] : memref<16x16xf32, #tpu.memory_space<vmem>> -> memref<1x16xf32, #tpu.memory_space<vmem>>
      %dma_wait3A_994 = tpu.memref_squeeze %dma_wait3A_993 : memref<1x16xf32, #tpu.memory_space<vmem>> -> memref<16xf32, #tpu.memory_space<vmem>>
      tpu.wait_dma2 semaphore(%arg9 : memref<!tpu.dma_semaphore, #tpu.memory_space<semaphore_mem>>) src(%dma_wait3A_994 : memref<16xf32, #tpu.memory_space<vmem>>) dst(%dma_wait3A_991 : memref<16xf32, #tpu.memory_space<hbm>>)
      %dma_wait3A_995 = arith.constant 7 : i32
      %dma_wait3A_996 = arith.constant 0 : i32
      %dma_wait3A_997 = tpu.memref_slice %arg8[%dma_wait3A_995, %dma_wait3A_996] : memref<16x16xf32, #tpu.memory_space<vmem>> -> memref<1x16xf32, #tpu.memory_space<vmem>>
      %dma_wait3A_998 = tpu.memref_squeeze %dma_wait3A_997 : memref<1x16xf32, #tpu.memory_space<vmem>> -> memref<16xf32, #tpu.memory_space<vmem>>
      %dma_wait3A_999 = tpu.memref_slice %arg4[%select_n3A, %add3A_802, %squeeze3A, %multiple_of3A_67] : memref<8x64x256x256xf32, #tpu.memory_space<hbm>> -> memref<1x1x1x16xf32, #tpu.memory_space<hbm>>
      %dma_wait3A_1000 = tpu.memref_squeeze %dma_wait3A_999 : memref<1x1x1x16xf32, #tpu.memory_space<hbm>> -> memref<16xf32, #tpu.memory_space<hbm>>
      %dma_wait3A_1001 = tpu.memref_slice %arg4[%select_n3A, %add3A_802, %squeeze3A, %multiple_of3A_67] : memref<8x64x256x256xf32, #tpu.memory_space<hbm>> -> memref<1x1x1x16xf32, #tpu.memory_space<hbm>>
      %dma_wait3A_1002 = tpu.memref_squeeze %dma_wait3A_1001 : memref<1x1x1x16xf32, #tpu.memory_space<hbm>> -> memref<16xf32, #tpu.memory_space<hbm>>
      %dma_wait3A_1003 = arith.constant 0 : i32
      %dma_wait3A_1004 = tpu.memref_slice %arg8[%dma_wait3A_995, %dma_wait3A_1003] : memref<16x16xf32, #tpu.memory_space<vmem>> -> memref<1x16xf32, #tpu.memory_space<vmem>>
      %dma_wait3A_1005 = tpu.memref_squeeze %dma_wait3A_1004 : memref<1x16xf32, #tpu.memory_space<vmem>> -> memref<16xf32, #tpu.memory_space<vmem>>
      tpu.wait_dma2 semaphore(%arg9 : memref<!tpu.dma_semaphore, #tpu.memory_space<semaphore_mem>>) src(%dma_wait3A_1005 : memref<16xf32, #tpu.memory_space<vmem>>) dst(%dma_wait3A_1002 : memref<16xf32, #tpu.memory_space<hbm>>)
      %dma_wait3A_1006 = arith.constant 8 : i32
      %dma_wait3A_1007 = arith.constant 0 : i32
      %dma_wait3A_1008 = tpu.memref_slice %arg8[%dma_wait3A_1006, %dma_wait3A_1007] : memref<16x16xf32, #tpu.memory_space<vmem>> -> memref<1x16xf32, #tpu.memory_space<vmem>>
      %dma_wait3A_1009 = tpu.memref_squeeze %dma_wait3A_1008 : memref<1x16xf32, #tpu.memory_space<vmem>> -> memref<16xf32, #tpu.memory_space<vmem>>
      %dma_wait3A_1010 = tpu.memref_slice %arg4[%select_n3A, %add3A_815, %squeeze3A, %multiple_of3A_67] : memref<8x64x256x256xf32, #tpu.memory_space<hbm>> -> memref<1x1x1x16xf32, #tpu.memory_space<hbm>>
      %dma_wait3A_1011 = tpu.memref_squeeze %dma_wait3A_1010 : memref<1x1x1x16xf32, #tpu.memory_space<hbm>> -> memref<16xf32, #tpu.memory_space<hbm>>
      %dma_wait3A_1012 = tpu.memref_slice %arg4[%select_n3A, %add3A_815, %squeeze3A, %multiple_of3A_67] : memref<8x64x256x256xf32, #tpu.memory_space<hbm>> -> memref<1x1x1x16xf32, #tpu.memory_space<hbm>>
      %dma_wait3A_1013 = tpu.memref_squeeze %dma_wait3A_1012 : memref<1x1x1x16xf32, #tpu.memory_space<hbm>> -> memref<16xf32, #tpu.memory_space<hbm>>
      %dma_wait3A_1014 = arith.constant 0 : i32
      %dma_wait3A_1015 = tpu.memref_slice %arg8[%dma_wait3A_1006, %dma_wait3A_1014] : memref<16x16xf32, #tpu.memory_space<vmem>> -> memref<1x16xf32, #tpu.memory_space<vmem>>
      %dma_wait3A_1016 = tpu.memref_squeeze %dma_wait3A_1015 : memref<1x16xf32, #tpu.memory_space<vmem>> -> memref<16xf32, #tpu.memory_space<vmem>>
      tpu.wait_dma2 semaphore(%arg9 : memref<!tpu.dma_semaphore, #tpu.memory_space<semaphore_mem>>) src(%dma_wait3A_1016 : memref<16xf32, #tpu.memory_space<vmem>>) dst(%dma_wait3A_1013 : memref<16xf32, #tpu.memory_space<hbm>>)
      %dma_wait3A_1017 = arith.constant 9 : i32
      %dma_wait3A_1018 = arith.constant 0 : i32
      %dma_wait3A_1019 = tpu.memref_slice %arg8[%dma_wait3A_1017, %dma_wait3A_1018] : memref<16x16xf32, #tpu.memory_space<vmem>> -> memref<1x16xf32, #tpu.memory_space<vmem>>
      %dma_wait3A_1020 = tpu.memref_squeeze %dma_wait3A_1019 : memref<1x16xf32, #tpu.memory_space<vmem>> -> memref<16xf32, #tpu.memory_space<vmem>>
      %dma_wait3A_1021 = tpu.memref_slice %arg4[%select_n3A, %add3A_828, %squeeze3A, %multiple_of3A_67] : memref<8x64x256x256xf32, #tpu.memory_space<hbm>> -> memref<1x1x1x16xf32, #tpu.memory_space<hbm>>
      %dma_wait3A_1022 = tpu.memref_squeeze %dma_wait3A_1021 : memref<1x1x1x16xf32, #tpu.memory_space<hbm>> -> memref<16xf32, #tpu.memory_space<hbm>>
      %dma_wait3A_1023 = tpu.memref_slice %arg4[%select_n3A, %add3A_828, %squeeze3A, %multiple_of3A_67] : memref<8x64x256x256xf32, #tpu.memory_space<hbm>> -> memref<1x1x1x16xf32, #tpu.memory_space<hbm>>
      %dma_wait3A_1024 = tpu.memref_squeeze %dma_wait3A_1023 : memref<1x1x1x16xf32, #tpu.memory_space<hbm>> -> memref<16xf32, #tpu.memory_space<hbm>>
      %dma_wait3A_1025 = arith.constant 0 : i32
      %dma_wait3A_1026 = tpu.memref_slice %arg8[%dma_wait3A_1017, %dma_wait3A_1025] : memref<16x16xf32, #tpu.memory_space<vmem>> -> memref<1x16xf32, #tpu.memory_space<vmem>>
      %dma_wait3A_1027 = tpu.memref_squeeze %dma_wait3A_1026 : memref<1x16xf32, #tpu.memory_space<vmem>> -> memref<16xf32, #tpu.memory_space<vmem>>
      tpu.wait_dma2 semaphore(%arg9 : memref<!tpu.dma_semaphore, #tpu.memory_space<semaphore_mem>>) src(%dma_wait3A_1027 : memref<16xf32, #tpu.memory_space<vmem>>) dst(%dma_wait3A_1024 : memref<16xf32, #tpu.memory_space<hbm>>)
      %dma_wait3A_1028 = arith.constant 10 : i32
      %dma_wait3A_1029 = arith.constant 0 : i32
      %dma_wait3A_1030 = tpu.memref_slice %arg8[%dma_wait3A_1028, %dma_wait3A_1029] : memref<16x16xf32, #tpu.memory_space<vmem>> -> memref<1x16xf32, #tpu.memory_space<vmem>>
      %dma_wait3A_1031 = tpu.memref_squeeze %dma_wait3A_1030 : memref<1x16xf32, #tpu.memory_space<vmem>> -> memref<16xf32, #tpu.memory_space<vmem>>
      %dma_wait3A_1032 = tpu.memref_slice %arg4[%select_n3A, %add3A_841, %squeeze3A, %multiple_of3A_67] : memref<8x64x256x256xf32, #tpu.memory_space<hbm>> -> memref<1x1x1x16xf32, #tpu.memory_space<hbm>>
      %dma_wait3A_1033 = tpu.memref_squeeze %dma_wait3A_1032 : memref<1x1x1x16xf32, #tpu.memory_space<hbm>> -> memref<16xf32, #tpu.memory_space<hbm>>
      %dma_wait3A_1034 = tpu.memref_slice %arg4[%select_n3A, %add3A_841, %squeeze3A, %multiple_of3A_67] : memref<8x64x256x256xf32, #tpu.memory_space<hbm>> -> memref<1x1x1x16xf32, #tpu.memory_space<hbm>>
      %dma_wait3A_1035 = tpu.memref_squeeze %dma_wait3A_1034 : memref<1x1x1x16xf32, #tpu.memory_space<hbm>> -> memref<16xf32, #tpu.memory_space<hbm>>
      %dma_wait3A_1036 = arith.constant 0 : i32
      %dma_wait3A_1037 = tpu.memref_slice %arg8[%dma_wait3A_1028, %dma_wait3A_1036] : memref<16x16xf32, #tpu.memory_space<vmem>> -> memref<1x16xf32, #tpu.memory_space<vmem>>
      %dma_wait3A_1038 = tpu.memref_squeeze %dma_wait3A_1037 : memref<1x16xf32, #tpu.memory_space<vmem>> -> memref<16xf32, #tpu.memory_space<vmem>>
      tpu.wait_dma2 semaphore(%arg9 : memref<!tpu.dma_semaphore, #tpu.memory_space<semaphore_mem>>) src(%dma_wait3A_1038 : memref<16xf32, #tpu.memory_space<vmem>>) dst(%dma_wait3A_1035 : memref<16xf32, #tpu.memory_space<hbm>>)
      %dma_wait3A_1039 = arith.constant 11 : i32
      %dma_wait3A_1040 = arith.constant 0 : i32
      %dma_wait3A_1041 = tpu.memref_slice %arg8[%dma_wait3A_1039, %dma_wait3A_1040] : memref<16x16xf32, #tpu.memory_space<vmem>> -> memref<1x16xf32, #tpu.memory_space<vmem>>
      %dma_wait3A_1042 = tpu.memref_squeeze %dma_wait3A_1041 : memref<1x16xf32, #tpu.memory_space<vmem>> -> memref<16xf32, #tpu.memory_space<vmem>>
      %dma_wait3A_1043 = tpu.memref_slice %arg4[%select_n3A, %add3A_854, %squeeze3A, %multiple_of3A_67] : memref<8x64x256x256xf32, #tpu.memory_space<hbm>> -> memref<1x1x1x16xf32, #tpu.memory_space<hbm>>
      %dma_wait3A_1044 = tpu.memref_squeeze %dma_wait3A_1043 : memref<1x1x1x16xf32, #tpu.memory_space<hbm>> -> memref<16xf32, #tpu.memory_space<hbm>>
      %dma_wait3A_1045 = tpu.memref_slice %arg4[%select_n3A, %add3A_854, %squeeze3A, %multiple_of3A_67] : memref<8x64x256x256xf32, #tpu.memory_space<hbm>> -> memref<1x1x1x16xf32, #tpu.memory_space<hbm>>
      %dma_wait3A_1046 = tpu.memref_squeeze %dma_wait3A_1045 : memref<1x1x1x16xf32, #tpu.memory_space<hbm>> -> memref<16xf32, #tpu.memory_space<hbm>>
      %dma_wait3A_1047 = arith.constant 0 : i32
      %dma_wait3A_1048 = tpu.memref_slice %arg8[%dma_wait3A_1039, %dma_wait3A_1047] : memref<16x16xf32, #tpu.memory_space<vmem>> -> memref<1x16xf32, #tpu.memory_space<vmem>>
      %dma_wait3A_1049 = tpu.memref_squeeze %dma_wait3A_1048 : memref<1x16xf32, #tpu.memory_space<vmem>> -> memref<16xf32, #tpu.memory_space<vmem>>
      tpu.wait_dma2 semaphore(%arg9 : memref<!tpu.dma_semaphore, #tpu.memory_space<semaphore_mem>>) src(%dma_wait3A_1049 : memref<16xf32, #tpu.memory_space<vmem>>) dst(%dma_wait3A_1046 : memref<16xf32, #tpu.memory_space<hbm>>)
      %dma_wait3A_1050 = arith.constant 12 : i32
      %dma_wait3A_1051 = arith.constant 0 : i32
      %dma_wait3A_1052 = tpu.memref_slice %arg8[%dma_wait3A_1050, %dma_wait3A_1051] : memref<16x16xf32, #tpu.memory_space<vmem>> -> memref<1x16xf32, #tpu.memory_space<vmem>>
      %dma_wait3A_1053 = tpu.memref_squeeze %dma_wait3A_1052 : memref<1x16xf32, #tpu.memory_space<vmem>> -> memref<16xf32, #tpu.memory_space<vmem>>
      %dma_wait3A_1054 = tpu.memref_slice %arg4[%select_n3A, %add3A_867, %squeeze3A, %multiple_of3A_67] : memref<8x64x256x256xf32, #tpu.memory_space<hbm>> -> memref<1x1x1x16xf32, #tpu.memory_space<hbm>>
      %dma_wait3A_1055 = tpu.memref_squeeze %dma_wait3A_1054 : memref<1x1x1x16xf32, #tpu.memory_space<hbm>> -> memref<16xf32, #tpu.memory_space<hbm>>
      %dma_wait3A_1056 = tpu.memref_slice %arg4[%select_n3A, %add3A_867, %squeeze3A, %multiple_of3A_67] : memref<8x64x256x256xf32, #tpu.memory_space<hbm>> -> memref<1x1x1x16xf32, #tpu.memory_space<hbm>>
      %dma_wait3A_1057 = tpu.memref_squeeze %dma_wait3A_1056 : memref<1x1x1x16xf32, #tpu.memory_space<hbm>> -> memref<16xf32, #tpu.memory_space<hbm>>
      %dma_wait3A_1058 = arith.constant 0 : i32
      %dma_wait3A_1059 = tpu.memref_slice %arg8[%dma_wait3A_1050, %dma_wait3A_1058] : memref<16x16xf32, #tpu.memory_space<vmem>> -> memref<1x16xf32, #tpu.memory_space<vmem>>
      %dma_wait3A_1060 = tpu.memref_squeeze %dma_wait3A_1059 : memref<1x16xf32, #tpu.memory_space<vmem>> -> memref<16xf32, #tpu.memory_space<vmem>>
      tpu.wait_dma2 semaphore(%arg9 : memref<!tpu.dma_semaphore, #tpu.memory_space<semaphore_mem>>) src(%dma_wait3A_1060 : memref<16xf32, #tpu.memory_space<vmem>>) dst(%dma_wait3A_1057 : memref<16xf32, #tpu.memory_space<hbm>>)
      %dma_wait3A_1061 = arith.constant 13 : i32
      %dma_wait3A_1062 = arith.constant 0 : i32
      %dma_wait3A_1063 = tpu.memref_slice %arg8[%dma_wait3A_1061, %dma_wait3A_1062] : memref<16x16xf32, #tpu.memory_space<vmem>> -> memref<1x16xf32, #tpu.memory_space<vmem>>
      %dma_wait3A_1064 = tpu.memref_squeeze %dma_wait3A_1063 : memref<1x16xf32, #tpu.memory_space<vmem>> -> memref<16xf32, #tpu.memory_space<vmem>>
      %dma_wait3A_1065 = tpu.memref_slice %arg4[%select_n3A, %add3A_880, %squeeze3A, %multiple_of3A_67] : memref<8x64x256x256xf32, #tpu.memory_space<hbm>> -> memref<1x1x1x16xf32, #tpu.memory_space<hbm>>
      %dma_wait3A_1066 = tpu.memref_squeeze %dma_wait3A_1065 : memref<1x1x1x16xf32, #tpu.memory_space<hbm>> -> memref<16xf32, #tpu.memory_space<hbm>>
      %dma_wait3A_1067 = tpu.memref_slice %arg4[%select_n3A, %add3A_880, %squeeze3A, %multiple_of3A_67] : memref<8x64x256x256xf32, #tpu.memory_space<hbm>> -> memref<1x1x1x16xf32, #tpu.memory_space<hbm>>
      %dma_wait3A_1068 = tpu.memref_squeeze %dma_wait3A_1067 : memref<1x1x1x16xf32, #tpu.memory_space<hbm>> -> memref<16xf32, #tpu.memory_space<hbm>>
      %dma_wait3A_1069 = arith.constant 0 : i32
      %dma_wait3A_1070 = tpu.memref_slice %arg8[%dma_wait3A_1061, %dma_wait3A_1069] : memref<16x16xf32, #tpu.memory_space<vmem>> -> memref<1x16xf32, #tpu.memory_space<vmem>>
      %dma_wait3A_1071 = tpu.memref_squeeze %dma_wait3A_1070 : memref<1x16xf32, #tpu.memory_space<vmem>> -> memref<16xf32, #tpu.memory_space<vmem>>
      tpu.wait_dma2 semaphore(%arg9 : memref<!tpu.dma_semaphore, #tpu.memory_space<semaphore_mem>>) src(%dma_wait3A_1071 : memref<16xf32, #tpu.memory_space<vmem>>) dst(%dma_wait3A_1068 : memref<16xf32, #tpu.memory_space<hbm>>)
      %dma_wait3A_1072 = arith.constant 14 : i32
      %dma_wait3A_1073 = arith.constant 0 : i32
      %dma_wait3A_1074 = tpu.memref_slice %arg8[%dma_wait3A_1072, %dma_wait3A_1073] : memref<16x16xf32, #tpu.memory_space<vmem>> -> memref<1x16xf32, #tpu.memory_space<vmem>>
      %dma_wait3A_1075 = tpu.memref_squeeze %dma_wait3A_1074 : memref<1x16xf32, #tpu.memory_space<vmem>> -> memref<16xf32, #tpu.memory_space<vmem>>
      %dma_wait3A_1076 = tpu.memref_slice %arg4[%select_n3A, %add3A_893, %squeeze3A, %multiple_of3A_67] : memref<8x64x256x256xf32, #tpu.memory_space<hbm>> -> memref<1x1x1x16xf32, #tpu.memory_space<hbm>>
      %dma_wait3A_1077 = tpu.memref_squeeze %dma_wait3A_1076 : memref<1x1x1x16xf32, #tpu.memory_space<hbm>> -> memref<16xf32, #tpu.memory_space<hbm>>
      %dma_wait3A_1078 = tpu.memref_slice %arg4[%select_n3A, %add3A_893, %squeeze3A, %multiple_of3A_67] : memref<8x64x256x256xf32, #tpu.memory_space<hbm>> -> memref<1x1x1x16xf32, #tpu.memory_space<hbm>>
      %dma_wait3A_1079 = tpu.memref_squeeze %dma_wait3A_1078 : memref<1x1x1x16xf32, #tpu.memory_space<hbm>> -> memref<16xf32, #tpu.memory_space<hbm>>
      %dma_wait3A_1080 = arith.constant 0 : i32
      %dma_wait3A_1081 = tpu.memref_slice %arg8[%dma_wait3A_1072, %dma_wait3A_1080] : memref<16x16xf32, #tpu.memory_space<vmem>> -> memref<1x16xf32, #tpu.memory_space<vmem>>
      %dma_wait3A_1082 = tpu.memref_squeeze %dma_wait3A_1081 : memref<1x16xf32, #tpu.memory_space<vmem>> -> memref<16xf32, #tpu.memory_space<vmem>>
      tpu.wait_dma2 semaphore(%arg9 : memref<!tpu.dma_semaphore, #tpu.memory_space<semaphore_mem>>) src(%dma_wait3A_1082 : memref<16xf32, #tpu.memory_space<vmem>>) dst(%dma_wait3A_1079 : memref<16xf32, #tpu.memory_space<hbm>>)
      %dma_wait3A_1083 = arith.constant 15 : i32
      %dma_wait3A_1084 = arith.constant 0 : i32
      %dma_wait3A_1085 = tpu.memref_slice %arg8[%dma_wait3A_1083, %dma_wait3A_1084] : memref<16x16xf32, #tpu.memory_space<vmem>> -> memref<1x16xf32, #tpu.memory_space<vmem>>
      %dma_wait3A_1086 = tpu.memref_squeeze %dma_wait3A_1085 : memref<1x16xf32, #tpu.memory_space<vmem>> -> memref<16xf32, #tpu.memory_space<vmem>>
      %dma_wait3A_1087 = tpu.memref_slice %arg4[%select_n3A, %add3A_906, %squeeze3A, %multiple_of3A_67] : memref<8x64x256x256xf32, #tpu.memory_space<hbm>> -> memref<1x1x1x16xf32, #tpu.memory_space<hbm>>
      %dma_wait3A_1088 = tpu.memref_squeeze %dma_wait3A_1087 : memref<1x1x1x16xf32, #tpu.memory_space<hbm>> -> memref<16xf32, #tpu.memory_space<hbm>>
      %dma_wait3A_1089 = tpu.memref_slice %arg4[%select_n3A, %add3A_906, %squeeze3A, %multiple_of3A_67] : memref<8x64x256x256xf32, #tpu.memory_space<hbm>> -> memref<1x1x1x16xf32, #tpu.memory_space<hbm>>
      %dma_wait3A_1090 = tpu.memref_squeeze %dma_wait3A_1089 : memref<1x1x1x16xf32, #tpu.memory_space<hbm>> -> memref<16xf32, #tpu.memory_space<hbm>>
      %dma_wait3A_1091 = arith.constant 0 : i32
      %dma_wait3A_1092 = tpu.memref_slice %arg8[%dma_wait3A_1083, %dma_wait3A_1091] : memref<16x16xf32, #tpu.memory_space<vmem>> -> memref<1x16xf32, #tpu.memory_space<vmem>>
      %dma_wait3A_1093 = tpu.memref_squeeze %dma_wait3A_1092 : memref<1x16xf32, #tpu.memory_space<vmem>> -> memref<16xf32, #tpu.memory_space<vmem>>
      tpu.wait_dma2 semaphore(%arg9 : memref<!tpu.dma_semaphore, #tpu.memory_space<semaphore_mem>>) src(%dma_wait3A_1093 : memref<16xf32, #tpu.memory_space<vmem>>) dst(%dma_wait3A_1090 : memref<16xf32, #tpu.memory_space<hbm>>)
    } else {
    }
    return
  }
}

</mosaic_0001>

<sc_bundles>
// kernel: kernel.3.cloned.1.call-start
scs
__scs_entry_jumppad:
0x0: {  	(pc) =	sbr.rel $0x88, $3  }
0x1: {  	(tag) =	ssettag $0x0;
	lr =	simm.s32 $0x1  }
0x2: {  	[smem:$0x3F9D] =	sst lr;
	_ =	strace $0xD0000000  }
0x3: {  	_ = 	snop  }
0x4: {  	_ = 	snop  }
0x5: {  	_ = 	snop  }
0x6: {  	_ = 	snop  }
0x7: {  	_ = 	snop  }
__scs_overlays_trampoline_lowered:
0x8: {  	[smem:$0x3FAC] =	sst s0  }
0x9: {  	[smem:$0x3FAD] =	sst s1  }
0xa: {  	[smem:$0x3FAE] =	sst s2  }
0xb: {  	[smem:$0x3FAF] =	sst s3  }
0xc: {  	[smem:$0x3FB0] =	sst s4  }
0xd: {  	[smem:$0x3FB1] =	sst s5  }
0xe: {  	[smem:$0x3FB2] =	sst s6  }
0xf: {  	[smem:$0x3FB3] =	sst s7  }
0x10: {  	[smem:$0x3FB4] =	sst s8  }
0x11: {  	[smem:$0x3FB5] =	sst s9;
	s0 =	simm.s32 @!p0 $0x0  }
0x12: {  	s1 =	sld [smem:$0x3F9B];
	s0 =	simm.s32 @p0 $0x1  }
0x13: {  	[smem:$0x3FB6] =	sst s0;
	s0 =	simm.s32 @!p1 $0x0  }
0x14: {  	s2 =	sld [smem:$0x3F9A];
	s0 =	simm.s32 @p1 $0x1  }
0x15: {  	[smem:$0x3FB7] =	sst s0;
	s0 =	simm.s32 @!p2 $0x0  }
0x16: {  	s3 =	sld [smem:$0x3FDB];
	s0 =	simm.s32 @p2 $0x1  }
0x17: {  	s4 =	simm.s32 $0x1BF5;
	[smem:$0x3FB9] =	sst s0  }
0x18: {  	s0 =	sld [smem:$0x3F9C];
	_ =	swait.ge [sflag:s4], $0x0  }
0x19: {  	s7 =	sld [smem:$0x3F9D]  }
0x1a: {  	s8 =	sadd.s32 $0xFFFFE003, lr  }
0x1b: {  	s9 =	sadd.s32 $0xFFFFFEF7, lr;
	s5 =	simm.s32 $0xFFFFFFFF;
	p2 =	slt.u32 s8, $0xFFFFF086  }
0x1c: {  	p1 =	slt.u32 s9, $0xF7A;
	s5 =	simm.s32 @!p2 $0x0  }
0x1d: {  	s5 =	simm.s32 @p1 $0x1;
	p0 =	seq.s32 s7, s2  }
0x1e: {  	s7 =	smul.u32 @!p0 $0xF7A, s2;
	p2 =	seq.s32 @!p0 s5, $0x0  }
0x1f: {  	s9 =	smul.u32 $0xF7A, s1;
	s8 =	simm.s32 @!p0 $0x1BF5;
	p2 =	por !p2, p0  }
0x20: {  	[sflag:s8] =	ssyncset.s32 @!p0 $0xFFFFF086;
	s6 =	sadd.s32 @!p0 s3, s7;
	s7 =	simm.s32 @!p0 $0x108  }
0x21: {  	s3 =	sadd.s32 s3, s9;
	s6 =	sadd.s32 @!p0 $0x88, s6;
	s7 =	simm.s32 @p2 $0x1082  }
0x22: {  	[simem:s7], [sflag:s8] =	dma.local @!p0 [hbm:s6], $0xF7A  }
0x23: {  	s9 =	sor.u32 $0xD0000000, s2;
	s6 =	simm.s32 $0x108;
	_ =	swait.ge @!p0 [sflag:s8], $0x0  }
0x24: {  	s3 =	sadd.s32 $0x88, s3;
	s6 =	simm.s32 @!p1 $0x1082;
	[sflag:s4] =	ssyncset.s32 $0xFFFFF086  }
0x25: {  	[simem:s6], [sflag:s4] =	dma.local [hbm:s3], $0xF7A  }
0x26: {  	[smem:$0x3F9D] =	sst s1;
	(tag) =	ssettag s2;
	_ =	strace s9  }
0x27: {  	s1 =	sld [smem:$0x3FAD]  }
0x28: {  	s2 =	sld [smem:$0x3FAE]  }
0x29: {  	s4 =	sld [smem:$0x3FB0]  }
0x2a: {  	p0 =	seq.s32 s5, $0x0;
	s5 =	sld [smem:$0x3FB1]  }
0x2b: {  	s6 =	sld [smem:$0x3FB2]  }
0x2c: {  	s7 =	sld [smem:$0x3FB3]  }
0x2d: {  	s3 =	simm.s32 $0x108;
	s8 =	sld [smem:$0x3FB4]  }
0x2e: {  	s3 =	simm.s32 @!p0 $0x1082;
	s9 =	sld [smem:$0x3FB5]  }
0x2f: {  	lr =	sadd.s32 s0, s3;
	s0 =	sld [smem:$0x3FAC]  }
0x30: {  	s3 =	sld [smem:$0x3FAF]  }
0x31: {  	[smem:$0x3FB8] =	sst s10  }
0x32: {  	s10 =	sld [smem:$0x3FB6];
	_ =	sdelay $0x3  }
0x33: {  	p0 =	seq.s32 s10, $0x1;
	s10 =	sld [smem:$0x3FB8];
	_ =	sdelay $0x3  }
0x34: {  	[smem:$0x3FB8] =	sst s10  }
0x35: {  	s10 =	sld [smem:$0x3FB7];
	_ =	sdelay $0x3  }
0x36: {  	p1 =	seq.s32 s10, $0x1;
	s10 =	sld [smem:$0x3FB8];
	_ =	sdelay $0x3  }
0x37: {  	[smem:$0x3FB8] =	sst s10  }
0x38: {  	s10 =	sld [smem:$0x3FB9]  }
0x39: {  	_ = 	snop;
	(pc) =	sbr.ind lr, $3  }
0x3a: {  	_ = 	snop  }
0x3b: {  	_ = 	snop  }
0x3c: {  	p2 =	seq.s32 s10, $0x1;
	s10 =	sld [smem:$0x3FB8]  }
0x3d: {  	_ =	shalt  }
0x3e: {  	_ =	shalt  }
0x3f: {  	_ =	shalt  }
0x40: {  	_ =	shalt  }
0x41: {  	_ =	shalt  }
0x42: {  	_ =	shalt  }
0x43: {  	_ =	shalt  }
0x44: {  	_ =	shalt  }
0x45: {  	_ =	shalt  }
0x46: {  	_ =	shalt  }
0x47: {  	_ =	shalt  }
0x48: {  	_ =	shalt  }
0x49: {  	_ =	shalt  }
0x4a: {  	_ =	shalt  }
0x4b: {  	_ =	shalt  }
0x4c: {  	_ =	shalt  }
0x4d: {  	_ =	shalt  }
0x4e: {  	_ =	shalt  }
0x4f: {  	_ =	shalt  }
0x50: {  	_ =	shalt  }
0x51: {  	_ =	shalt  }
0x52: {  	_ =	shalt  }
0x53: {  	_ =	shalt  }
0x54: {  	_ =	shalt  }
0x55: {  	_ =	shalt  }
0x56: {  	_ =	shalt  }
0x57: {  	_ =	shalt  }
0x58: {  	_ =	shalt  }
0x59: {  	_ =	shalt  }
0x5a: {  	_ =	shalt  }
0x5b: {  	_ =	shalt  }
0x5c: {  	_ =	shalt  }
0x5d: {  	_ =	shalt  }
0x5e: {  	_ =	shalt  }
0x5f: {  	_ =	shalt  }
0x60: {  	_ =	shalt  }
0x61: {  	_ =	shalt  }
0x62: {  	_ =	shalt  }
0x63: {  	_ =	shalt  }
0x64: {  	_ =	shalt  }
0x65: {  	_ =	shalt  }
0x66: {  	_ =	shalt  }
0x67: {  	_ =	shalt  }
0x68: {  	_ =	shalt  }
0x69: {  	_ =	shalt  }
0x6a: {  	_ =	shalt  }
0x6b: {  	_ =	shalt  }
0x6c: {  	_ =	shalt  }
0x6d: {  	_ =	shalt  }
0x6e: {  	_ =	shalt  }
0x6f: {  	_ =	shalt  }
0x70: {  	_ =	shalt  }
0x71: {  	_ =	shalt  }
0x72: {  	_ =	shalt  }
0x73: {  	_ =	shalt  }
0x74: {  	_ =	shalt  }
0x75: {  	_ =	shalt  }
0x76: {  	_ =	shalt  }
0x77: {  	_ =	shalt  }
0x78: {  	_ =	shalt  }
0x79: {  	_ =	shalt  }
0x7a: {  	_ =	shalt  }
0x7b: {  	_ =	shalt  }
0x7c: {  	_ =	shalt  }
0x7d: {  	_ =	shalt  }
0x7e: {  	_ =	shalt  }
0x7f: {  	_ =	shalt  }
0x80: {  	_ =	shalt  }
0x81: {  	_ =	shalt  }
0x82: {  	_ =	shalt  }
0x83: {  	_ =	shalt  }
0x84: {  	_ =	shalt  }
0x85: {  	_ =	shalt  }
0x86: {  	_ =	shalt  }
0x87: {  	_ =	shalt  }
.Lfunc_end0:
.L_simem_size_0:
called_computation_lowered:
.L_overlay_start_0:
0x88: {  	s2 =	sld [smem:$0x3FD9]  }
0x89: {  	s3 =	sld [smem:$0x3FFE];
	_ =	sdelay $0x1  }
0x8a: {  	s1 =	srdreg.scid  }
0x8b: {  	s0 =	sand.u32 $0x1, s1  }
0x8c: {  	s17 =	sshll.u32 s0, $0xA;
	s2 =	sadd.s32 s3, s2  }
0x8d: {  	s2 =	sadd.s32 s2, s17  }
0x8e: {  	[smem:$0x3FC4] =	sst s2  }
0x8f: {  	_ = 	snop  }
0x90: {  	s2 =	sld [smem:$0x3FC8]  }
0x91: {  	s18 =	sld [smem:$0x3FD0];
	(tm) =	ssettm $0x1  }
0x92: {  	s4 =	sld [smem:$0x3FFB];
	_ =	sdelay $0x3  }
0x93: {  	_ =	strace s4  }
0x94: {  	s4 =	sld [smem:$0x3FFC];
	_ =	sdelay $0x3  }
0x95: {  	_ =	strace s4  }
0x96: {  	s4 =	sld [smem:$0x3FFD];
	_ =	sdelay $0x3  }
0x97: {  	_ =	strace s4  }
0x98: {  	_ =	strace $0x8FFFFFFF  }
0x99: {  	s19 =	sld [smem:$0x3FDB];
	_ =	sdelay $0x1  }
0x9a: {  	s5 =	simm.s32 $_scs_section_size  }
0x9b: {  	s6 =	simm.s32 $_size__tile_overlayer_lowered;
	s7 =	simm.s32 $_tile_overlayer_lowered  }
0x9c: {  	s22 =	simm.s32 $0x1BFF;
	s21 =	sshll.u32 s7, $0x1;
	s4 =	sadd.s32 s5, s19  }
0x9d: {  	s8 =	simm.s32 $0x0;
	s20 =	sshll.u32 s6, $0x1;
	s6 =	sadd.s32 s21, s4  }
0x9e: {  	[timem:s8], [sflag:s22] =	dma.local [hbm:s6], s20  }
0x9f: {  	_ =	swait.ge [sflag:s22], s20  }
0xa0: {  	s5 =	ssub.s32 $0x0, s20;
	[sflag:s22] =	ssyncset.done $0x0  }
0xa1: {  	[sflag:s22] =	ssyncadd.s32 s5;
	_ =	sdelay $0x1  }
0xa2: {  	s23 =	simm.s32 $0x1B8B  }
0xa3: {  	_ =	swait.ge [sflag:s23], $0x1  }
0xa4: {  	[sflag:s23] =	ssyncset.done $0x0  }
0xa5: {  	s25 =	simm.s32 $0x1B8E;
	s24 =	sld [smem:$0x3FFE];
	[sflag:s23] =	ssyncadd.s32 $0xFFFFFFFF  }
0xa6: {  	s26 =	simm.s32 $execute0_lowered;
	[smem:$0x3FD2] =	sst s25  }
0xa7: {  	s6 =	sshll.u32 s26, $0x1;
	_ =	strace $0x80000046;
	[dreg:$0x1] =	wrdreg $0xFFFFFFFF  }
0xa8: {  	s28 =	simm.s32 $_size_execute0_lowered;
	s4 =	sadd.s32 s4, s6;
	[dreg:$0x0] =	wrdreg $0x0  }
0xa9: {  	s6 =	sshll.u32 s28, $0x1;
	[dreg:$0x2] =	wrdreg s4  }
0xaa: {  	[dreg:$0x3] =	wrdreg s6  }
0xab: {  	[dreg:$0x4] =	wrdreg $0xC0  }
0xac: {  	_ =	task [dreg:s8], $0x5FFFF  }
0xad: {  	[dreg:$0x1] =	wrdreg $0xFFFFFFFF  }
0xae: {  	[dreg:$0x0] =	wrdreg $0x60  }
0xaf: {  	[dreg:$0x2] =	wrdreg s24  }
0xb0: {  	[dreg:$0x3] =	wrdreg s2  }
0xb1: {  	[dreg:$0x4] =	wrdreg s18  }
0xb2: {  	[dreg:$0x5] =	wrdreg $0x9  }
0xb3: {  	_ =	task.clear_ibuf [dreg:s8], $0x6FFFF;
	_ =	strace $0x90000046  }
0xb4: {  	s29 =	simm.s32 $0x9;
	_ =	strace $0x80000048  }
0xb5: {  	_ =	swait.ge [sflag:s29], $0x1  }
0xb6: {  	[sflag:s29] =	ssyncadd.s32 $0xFFFFFFFF  }
0xb7: {  	_ =	strace $0x90000048  }
0xb8: {  	_ =	sfence  }
0xb9: {  	s30 =	sld [smem:$0x0];
	_ =	sdelay $0x2  }
0xba: {  	s31 =	sshll.u32 s1, $0xD;
	s1 =	sshrl.u32 s1, $0x2  }
0xbb: {  	s3 =	sand.u32 $0x4000, s31;
	s1 =	sadd.s32 s1, s30  }
0xbc: {  	s0 =	sor.u32 s3, s0;
	s1 =	sshll.u32 s1, $0x11  }
0xbd: {  	s0 =	sor.u32 s1, s0  }
0xbe: {  	s0 =	sadd.s32 $0x8F2B, s0  }
0xbf: {  	[sflag:s0] =	ssyncadd.remote.s32 $0x1  }
0xc0: {  	_ =	sfence.sel $0xFFFF  }
0xc1: {  	[dreg:$0x0] =	wrdreg $0xFFFFFFFF;
	(pc) =	sbr.abs _section_cstart, $3  }
0xc2: {  	[dreg:$0x1] =	wrdreg $0xFFFFFFFF  }
0xc3: {  	_ =	task.clear_ibuf [dreg:s8], $0x2FFFF;
	_ =	strace $0x9FFFFFFF  }
0xc4: {  	(tm) =	ssettm $0x7FFFFFFF  }
0xc5: {  	_ =	shalt  }
tec
execute0_lowered:
.L_overlay_start_1:
0x0: {  	(tag) =	ssettag $0x1  }
0x1: {  	s0 =	rddreg [dreg:$0x0];
	s8 =	stileid.u32  }
0x2: {  	s1 =	rddreg [dreg:$0x1];
	s5 =	srdreg.scid;
	s6 =	sshll.u32 s8, $0x1  }
0x3: {  	s2 =	rddreg [dreg:$0x2];
	s12 =	sand.u32 $0x1, s5;
	s6 =	sand.u32 $0x2, s6  }
0x4: {  	s3 =	simm.s32 $0x0;
	s4 =	sadd.s32 $0x800, s0;
	s0 =	sor.u32 s12, s6  }
0x5: {  	s5 =	sshrl.u32 s8, $0x1;
	s14 =	sshll.u32 s0, $0x14;
	s0 =	sshll.u32 s0, $0x1  }
0x6: {  	[smem:$0x7FF] =	sst s3;
	s9 =	sshll.u32 s5, $0x16;
	s0 =	sadd.s32 s1, s0  }
0x7: {  	_ =	strace $0x80000047;
	s15 =	sor.u32 s14, s9;
	[dreg:$0x4] =	wrdreg s0  }
0x8: {  	s16 =	sor.u32 $0x10000, s15;
	[dreg:$0x14] =	wrdreg s15  }
0x9: {  	s17 =	sor.u32 $0x20000, s15;
	[dreg:$0x5] =	wrdreg s16  }
0xa: {  	s18 =	sor.u32 $0x30000, s15;
	[dreg:$0x6] =	wrdreg s17  }
0xb: {  	s19 =	sor.u32 $0x40000, s15;
	[dreg:$0x7] =	wrdreg s18  }
0xc: {  	s20 =	sor.u32 $0x50000, s15;
	[dreg:$0x8] =	wrdreg s19  }
0xd: {  	s21 =	sor.u32 $0x60000, s15;
	[dreg:$0x9] =	wrdreg s20  }
0xe: {  	s22 =	sor.u32 $0x70000, s15;
	[dreg:$0xa] =	wrdreg s21  }
0xf: {  	s23 =	sor.u32 $0x80000, s15;
	[dreg:$0xb] =	wrdreg s22  }
0x10: {  	s24 =	sor.u32 $0x90000, s15;
	[dreg:$0xc] =	wrdreg s23  }
0x11: {  	s25 =	sor.u32 $0xA0000, s15;
	[dreg:$0xd] =	wrdreg s24  }
0x12: {  	s26 =	sor.u32 $0xB0000, s15;
	[dreg:$0xe] =	wrdreg s25  }
0x13: {  	s7 =	ssub.s32 $0x2, s12;
	s28 =	sor.u32 $0xC0000, s15;
	[dreg:$0xf] =	wrdreg s26  }
.Ltmp0:
0x14: {  	s29 =	sor.u32 $0xD0000, s15;
	[dreg:$0x10] =	wrdreg s28;
	(pc) =	sbr.rel .LBB2_1-.Ltmp0, $4  }
0x15: {  	s13 =	sshrl.u32 s7, $0x1;
	s30 =	sor.u32 $0xE0000, s15;
	[dreg:$0x11] =	wrdreg s29  }
0x16: {  	s7 =	ssub.s32 s7, s13;
	s31 =	sor.u32 $0xF0000, s15;
	[dreg:$0x12] =	wrdreg s30  }
0x17: {  	s14 =	simm.s32 $0x780;
	s15 =	simm.s32 $0x700;
	[dreg:$0x13] =	wrdreg s31  }
0x18: {  	v0 =	vlaneseq.u32;
	s23 =	smax.u32 s7, $0x1;
	s24 =	simm.s32 $0x2;
	s25 =	simm.s32 $0x1  }
.LBB2_3:
0x19: {  	s23 =	sadd.s32 $0xFFFFFFFF, s23  }
0x1a: {  	p0 =	sne.s32 s23, $0x0  }
.Ltmp1:
0x1b: {  	_ = 	snop;
	(pc) =	sbr.rel @!p0 .LBB2_4-.Ltmp1, $1  }
0x1c: {  	_ =	sdelay $0x3  }
.LBB2_1:
0x1d: {  	[tilespmem:s3], [sflag:$0x2] =	stream.linear.gather [hbm4b:s4+s3], $0x80, $0x38;
	[tilespmem:$0x900] =	vst v63  }
0x1e: {  	_ =	swait.ge [sflag:s24], $0x80  }
0x1f: {  	[sflag:s24] =	ssyncset.done $0x0  }
0x20: {  	[sflag:s24] =	ssyncadd.s32 $0xFFFFFF80  }
0x21: {  	v1 =	vld [tilespmem:$0x0];
	_ =	sdelay $0x4  }
0x22: {  	(v2sf) =	vpush v1, $0x2;
	_ =	sdelay $0xe  }
0x23: {  	s0 =	spop (v2sf)  }
0x24: {  	p0 =	sne.s32 s5, s0  }
.Ltmp2:
0x25: {  	_ = 	snop;
	(pc) =	sbr.rel @p0 .LBB2_3-.Ltmp2, $1  }
0x26: {  	_ =	sdelay $0x3  }
0x27: {  	(v2sf) =	vpush v1, $0x0  }
0x28: {  	(v2sf) =	vpush v1, $0x1;
	_ =	sdelay $0xb  }
0x29: {  	s26 =	rddreg [dreg:$0x4];
	s9 =	simm.s32 $0x80  }
0x2a: {  	[tilespmem:s9], [sflag:$0x2] =	stream.linear.gather [hbm4b:s26+s3], $0x10, $0x38;
	[tilespmem:$0x900] =	vst v63  }
0x2b: {  	s0 =	spop (v2sf)  }
0x2c: {  	s1 =	spop (v2sf)  }
0x2d: {  	s7 =	sand.u32 $0xF, s1  }
0x2e: {  	s8 =	sshra.s32 s1, $0x1F;
	p0 =	slt.s32 s1, $0x1;
	p1 =	sne.s32 s7, $0x0  }
0x2f: {  	s22 =	sshrl.u32 s8, $0x1C;
	p0 =	por !p0, !p1  }
0x30: {  	s8 =	simm.s32 $0x1;
	s7 =	sadd.s32 s22, s1;
	p0 =	por !p0, !p0  }
0x31: {  	s7 =	sshra.s32 s7, $0x4;
	s8 =	simm.s32 @!p0 $0x0  }
0x32: {  	s7 =	ssub.s32 s7, s8  }
0x33: {  	s28 =	sshll.u32 s0, $0x8;
	s29 =	sshll.u32 s7, $0x7  }
0x34: {  	s8 =	sand.u32 $0xFFFFF800, s28;
	s9 =	sand.u32 $0xFFFFFC00, s29  }
0x35: {  	s30 =	rddreg [dreg:$0x14];
	s0 =	sshll.u32 s0, $0x7;
	s9 =	sadd.s32 s8, s9  }
0x36: {  	s11 =	sand.u32 $0x380, s0;
	s8 =	sshll.u32 s7, $0x4;
	s0 =	sadd.s32 s30, s9  }
0x37: {  	s10 =	sand.u32 $0x70, s8;
	s0 =	sor.u32 s11, s0  }
0x38: {  	s31 =	simm.s32 $0x100;
	_ =	swait.ge [sflag:s24], $0x10;
	s0 =	sor.u32 s10, s0  }
0x39: {  	[sflag:s24] =	ssyncset.done $0x0;
	s6 =	rddreg [dreg:$0x5];
	s0 =	sshrl.u32 s0, $0x3  }
0x3a: {  	[sflag:s24] =	ssyncadd.s32 $0xFFFFFFF0;
	s28 =	sadd.s32 s2, s0;
	s0 =	sadd.s32 s6, s9  }
0x3b: {  	[tilespmem:s31], [sflag:$0x1] =	stream.linear.gather [hbm4b:s28+s3], $0x10, $0x38;
	[tilespmem:$0x900] =	vst v63  }
0x3c: {  	s0 =	sor.u32 s11, s0  }
0x3d: {  	s0 =	sor.u32 s10, s0  }
0x3e: {  	s12 =	rddreg [dreg:$0x6];
	s0 =	sshrl.u32 s0, $0x3  }
0x3f: {  	s7 =	simm.s32 $0x180;
	s16 =	sadd.s32 s2, s0;
	s0 =	sadd.s32 s12, s9  }
0x40: {  	[tilespmem:s7], [sflag:$0x1] =	stream.linear.gather [hbm4b:s16+s3], $0x10, $0x38;
	[tilespmem:$0x900] =	vst v63  }
0x41: {  	s0 =	sor.u32 s11, s0  }
0x42: {  	s0 =	sor.u32 s10, s0  }
0x43: {  	s17 =	rddreg [dreg:$0x7];
	s0 =	sshrl.u32 s0, $0x3  }
0x44: {  	s13 =	simm.s32 $0x200;
	s29 =	sadd.s32 s2, s0;
	s0 =	sadd.s32 s17, s9  }
0x45: {  	[tilespmem:s13], [sflag:$0x1] =	stream.linear.gather [hbm4b:s29+s3], $0x10, $0x38;
	[tilespmem:$0x900] =	vst v63  }
0x46: {  	s0 =	sor.u32 s11, s0  }
0x47: {  	s18 =	rddreg [dreg:$0x8];
	s0 =	sor.u32 s10, s0  }
0x48: {  	s6 =	smov.u32 s5;
	s5 =	smov.u32 s4;
	s0 =	sshrl.u32 s0, $0x3  }
0x49: {  	s4 =	simm.s32 $0x280;
	s17 =	sadd.s32 s2, s0;
	s0 =	sadd.s32 s18, s9  }
0x4a: {  	[tilespmem:s4], [sflag:$0x1] =	stream.linear.gather [hbm4b:s17+s3], $0x10, $0x38;
	[tilespmem:$0x900] =	vst v63  }
0x4b: {  	s0 =	sor.u32 s11, s0  }
0x4c: {  	s0 =	sor.u32 s10, s0  }
0x4d: {  	s20 =	rddreg [dreg:$0x9];
	s0 =	sshrl.u32 s0, $0x3  }
0x4e: {  	s19 =	simm.s32 $0x300;
	s30 =	sadd.s32 s2, s0;
	s0 =	sadd.s32 s20, s9  }
0x4f: {  	[tilespmem:s19], [sflag:$0x1] =	stream.linear.gather [hbm4b:s30+s3], $0x10, $0x38;
	[tilespmem:$0x900] =	vst v63  }
0x50: {  	s0 =	sor.u32 s11, s0  }
0x51: {  	s0 =	sor.u32 s10, s0  }
0x52: {  	s22 =	rddreg [dreg:$0xa];
	s0 =	sshrl.u32 s0, $0x3  }
0x53: {  	s21 =	simm.s32 $0x380;
	s18 =	sadd.s32 s2, s0;
	s0 =	sadd.s32 s22, s9  }
0x54: {  	[tilespmem:s21], [sflag:$0x1] =	stream.linear.gather [hbm4b:s18+s3], $0x10, $0x38;
	[tilespmem:$0x900] =	vst v63  }
0x55: {  	s0 =	sor.u32 s11, s0  }
0x56: {  	s0 =	sor.u32 s10, s0  }
0x57: {  	s7 =	rddreg [dreg:$0xb];
	s0 =	sshrl.u32 s0, $0x3  }
0x58: {  	s26 =	simm.s32 $0x400;
	s31 =	sadd.s32 s2, s0;
	s0 =	sadd.s32 s7, s9  }
0x59: {  	[tilespmem:s26], [sflag:$0x1] =	stream.linear.gather [hbm4b:s31+s3], $0x10, $0x38;
	[tilespmem:$0x900] =	vst v63  }
0x5a: {  	s0 =	sor.u32 s11, s0  }
0x5b: {  	s0 =	sor.u32 s10, s0  }
0x5c: {  	s12 =	simm.s32 $0x480;
	s13 =	rddreg [dreg:$0xc];
	s0 =	sshrl.u32 s0, $0x3  }
0x5d: {  	s21 =	rddreg [dreg:$0xd];
	s19 =	sadd.s32 s2, s0;
	s0 =	sadd.s32 s13, s9  }
0x5e: {  	[tilespmem:s12], [sflag:$0x1] =	stream.linear.gather [hbm4b:s19+s3], $0x10, $0x38;
	[tilespmem:$0x900] =	vst v63  }
0x5f: {  	s7 =	sadd.s32 s21, s9;
	s0 =	sor.u32 s11, s0  }
0x60: {  	s7 =	sor.u32 s11, s7;
	s0 =	sor.u32 s10, s0  }
0x61: {  	s20 =	simm.s32 $0x500;
	s7 =	sor.u32 s10, s7;
	s0 =	sshrl.u32 s0, $0x3  }
0x62: {  	s26 =	rddreg [dreg:$0xe];
	s7 =	sshrl.u32 s7, $0x3;
	s0 =	sadd.s32 s2, s0  }
0x63: {  	[tilespmem:s20], [sflag:$0x1] =	stream.linear.gather [hbm4b:s0+s3], $0x10, $0x38;
	[tilespmem:$0x900] =	vst v63  }
0x64: {  	s20 =	sadd.s32 s2, s7;
	s7 =	sadd.s32 s26, s9  }
0x65: {  	s22 =	simm.s32 $0x580;
	s7 =	sor.u32 s11, s7  }
0x66: {  	[tilespmem:s22], [sflag:$0x1] =	stream.linear.gather [hbm4b:s20+s3], $0x10, $0x38;
	[tilespmem:$0x900] =	vst v63  }
0x67: {  	s7 =	sor.u32 s10, s7  }
0x68: {  	s13 =	rddreg [dreg:$0xf];
	s7 =	sshrl.u32 s7, $0x3  }
0x69: {  	s12 =	simm.s32 $0x600;
	s21 =	sadd.s32 s2, s7;
	s7 =	sadd.s32 s13, s9  }
0x6a: {  	[tilespmem:s12], [sflag:$0x1] =	stream.linear.gather [hbm4b:s21+s3], $0x10, $0x38;
	[tilespmem:$0x900] =	vst v63  }
0x6b: {  	s7 =	sor.u32 s11, s7  }
0x6c: {  	s7 =	sor.u32 s10, s7  }
0x6d: {  	s12 =	rddreg [dreg:$0x10];
	s7 =	sshrl.u32 s7, $0x3  }
0x6e: {  	s22 =	simm.s32 $0x680;
	s26 =	sadd.s32 s2, s7;
	s7 =	sadd.s32 s12, s9  }
0x6f: {  	[tilespmem:s22], [sflag:$0x1] =	stream.linear.gather [hbm4b:s26+s3], $0x10, $0x38;
	[tilespmem:$0x900] =	vst v63  }
0x70: {  	s7 =	sor.u32 s11, s7  }
0x71: {  	s7 =	sor.u32 s10, s7  }
0x72: {  	s13 =	rddreg [dreg:$0x11];
	s7 =	sshrl.u32 s7, $0x3  }
0x73: {  	s12 =	rddreg [dreg:$0x12];
	s22 =	sadd.s32 s2, s7;
	s7 =	sadd.s32 s13, s9  }
0x74: {  	[tilespmem:s15], [sflag:$0x1] =	stream.linear.gather [hbm4b:s22+s3], $0x10, $0x38;
	[tilespmem:$0x900] =	vst v63  }
0x75: {  	s12 =	sadd.s32 s12, s9;
	s13 =	rddreg [dreg:$0x13];
	s7 =	sor.u32 s11, s7  }
0x76: {  	s12 =	sor.u32 s11, s12;
	s9 =	sadd.s32 s13, s9;
	s7 =	sor.u32 s10, s7  }
0x77: {  	s12 =	sor.u32 s10, s12;
	s9 =	sor.u32 s11, s9;
	s7 =	sshrl.u32 s7, $0x3  }
0x78: {  	s12 =	sshrl.u32 s12, $0x3;
	s10 =	sor.u32 s10, s9;
	s7 =	sadd.s32 s2, s7  }
0x79: {  	[tilespmem:s14], [sflag:$0x1] =	stream.linear.gather [hbm4b:s7+s3], $0x10, $0x38;
	[tilespmem:$0x900] =	vst v63  }
0x7a: {  	s11 =	simm.s32 $0x800;
	s9 =	sadd.s32 s2, s12;
	s10 =	sshrl.u32 s10, $0x3  }
0x7b: {  	[tilespmem:s11], [sflag:$0x1] =	stream.linear.gather [hbm4b:s9+s3], $0x10, $0x38;
	[tilespmem:$0x900] =	vst v63  }
0x7c: {  	s12 =	simm.s32 $0x880;
	s10 =	sadd.s32 s2, s10  }
0x7d: {  	[tilespmem:s12], [sflag:$0x1] =	stream.linear.gather [hbm4b:s10+s3], $0x10, $0x38;
	[tilespmem:$0x900] =	vst v63  }
0x7e: {  	_ =	swait.ge [sflag:s25], $0x10  }
0x7f: {  	[sflag:s25] =	ssyncset.done $0x0  }
0x80: {  	[sflag:s25] =	ssyncadd.s32 $0xFFFFFFF0  }
0x81: {  	_ =	swait.ge [sflag:s25], $0x10  }
0x82: {  	[sflag:s25] =	ssyncset.done $0x0  }
0x83: {  	[sflag:s25] =	ssyncadd.s32 $0xFFFFFFF0  }
0x84: {  	_ =	swait.ge [sflag:s25], $0x10  }
0x85: {  	[sflag:s25] =	ssyncset.done $0x0  }
0x86: {  	[sflag:s25] =	ssyncadd.s32 $0xFFFFFFF0  }
0x87: {  	_ =	swait.ge [sflag:s25], $0x10  }
0x88: {  	[sflag:s25] =	ssyncset.done $0x0  }
0x89: {  	[sflag:s25] =	ssyncadd.s32 $0xFFFFFFF0  }
0x8a: {  	_ =	swait.ge [sflag:s25], $0x10  }
0x8b: {  	[sflag:s25] =	ssyncset.done $0x0  }
0x8c: {  	[sflag:s25] =	ssyncadd.s32 $0xFFFFFFF0  }
0x8d: {  	_ =	swait.ge [sflag:s25], $0x10  }
0x8e: {  	[sflag:s25] =	ssyncset.done $0x0  }
0x8f: {  	[sflag:s25] =	ssyncadd.s32 $0xFFFFFFF0  }
0x90: {  	_ =	swait.ge [sflag:s25], $0x10  }
0x91: {  	[sflag:s25] =	ssyncset.done $0x0  }
0x92: {  	[sflag:s25] =	ssyncadd.s32 $0xFFFFFFF0  }
0x93: {  	_ =	swait.ge [sflag:s25], $0x10  }
0x94: {  	[sflag:s25] =	ssyncset.done $0x0  }
0x95: {  	[sflag:s25] =	ssyncadd.s32 $0xFFFFFFF0  }
0x96: {  	_ =	swait.ge [sflag:s25], $0x10  }
0x97: {  	[sflag:s25] =	ssyncset.done $0x0  }
0x98: {  	[sflag:s25] =	ssyncadd.s32 $0xFFFFFFF0  }
0x99: {  	_ =	swait.ge [sflag:s25], $0x10  }
0x9a: {  	[sflag:s25] =	ssyncset.done $0x0  }
0x9b: {  	[sflag:s25] =	ssyncadd.s32 $0xFFFFFFF0  }
0x9c: {  	_ =	swait.ge [sflag:s25], $0x10  }
0x9d: {  	[sflag:s25] =	ssyncset.done $0x0  }
0x9e: {  	[sflag:s25] =	ssyncadd.s32 $0xFFFFFFF0  }
0x9f: {  	_ =	swait.ge [sflag:s25], $0x10  }
0xa0: {  	[sflag:s25] =	ssyncset.done $0x0  }
0xa1: {  	[sflag:s25] =	ssyncadd.s32 $0xFFFFFFF0  }
0xa2: {  	_ =	swait.ge [sflag:s25], $0x10  }
0xa3: {  	[sflag:s25] =	ssyncset.done $0x0  }
0xa4: {  	[sflag:s25] =	ssyncadd.s32 $0xFFFFFFF0  }
0xa5: {  	_ =	swait.ge [sflag:s25], $0x10  }
0xa6: {  	[sflag:s25] =	ssyncset.done $0x0  }
0xa7: {  	[sflag:s25] =	ssyncadd.s32 $0xFFFFFFF0  }
0xa8: {  	_ =	swait.ge [sflag:s25], $0x10  }
0xa9: {  	[sflag:s25] =	ssyncset.done $0x0  }
0xaa: {  	[sflag:s25] =	ssyncadd.s32 $0xFFFFFFF0  }
0xab: {  	_ =	swait.ge [sflag:s25], $0x10  }
0xac: {  	[sflag:s25] =	ssyncset.done $0x0  }
0xad: {  	[sflag:s25] =	ssyncadd.s32 $0xFFFFFFF0  }
0xae: {  	v1 =	vld [tilespmem:$0x80];
	_ =	sdelay $0x4  }
0xaf: {  	v5 =	vbroadcast v1, $0x0;
	v8 =	vbroadcast v1, $0x1  }
0xb0: {  	v41 =	vbroadcast v1, $0x2;
	v43 =	vbroadcast v1, $0x3  }
0xb1: {  	v44 =	vbroadcast v1, $0x4;
	v46 =	vbroadcast v1, $0x5  }
0xb2: {  	v2 =	vld [tilespmem:$0x100];
	v48 =	vbroadcast v1, $0x6;
	v50 =	vbroadcast v1, $0x7  }
0xb3: {  	v61 =	vld [tilespmem:$0x880];
	v52 =	vbroadcast v1, $0x8;
	v54 =	vbroadcast v1, $0x9  }
0xb4: {  	v3 =	vld [tilespmem:$0x180];
	v56 =	vbroadcast v1, $0xA;
	v58 =	vbroadcast v1, $0xB  }
0xb5: {  	s1 =	ssub.s32 s1, s8;
	v4 =	vld [tilespmem:$0x200];
	v60 =	vbroadcast v1, $0xC;
	v62 =	vbroadcast v1, $0xD  }
0xb6: {  	v7 =	vmov s1;
	v6 =	vld [tilespmem:$0x280];
	v63 =	vbroadcast v1, $0xE;
	v1 =	vbroadcast v1, $0xF  }
0xb7: {  	vm0 =	veq.s32 v7, v0;
	v9 =	vld [tilespmem:$0x300];
	v5 =	vmax.f32 v2, v5  }
0xb8: {  	v10 =	vld [tilespmem:$0x380];
	v1 =	vmax.f32 v61, v1;
	v2 =	vsel vm0, v5, v2  }
0xb9: {  	v11 =	vld [tilespmem:$0x400];
	v42 =	vmax.f32 v3, v8;
	v1 =	vsel vm0, v1, v61;
	[tilespmem:$0x100] =	vst v2  }
0xba: {  	v45 =	vld [tilespmem:$0x480];
	v2 =	vsel vm0, v42, v3;
	v3 =	vmax.f32 v4, v41;
	[tilespmem:$0x880] =	vst v1  }
0xbb: {  	v47 =	vld [tilespmem:$0x500];
	[tilespmem:$0x180] =	vst v2;
	v2 =	vsel vm0, v3, v4;
	v3 =	vmax.f32 v6, v43  }
0xbc: {  	v49 =	vld [tilespmem:$0x580];
	[tilespmem:$0x200] =	vst v2;
	v2 =	vsel vm0, v3, v6;
	v3 =	vmax.f32 v9, v44  }
0xbd: {  	v51 =	vld [tilespmem:$0x600];
	[tilespmem:$0x280] =	vst v2;
	v2 =	vsel vm0, v3, v9;
	v3 =	vmax.f32 v10, v46  }
0xbe: {  	v53 =	vld [tilespmem:$0x680];
	[tilespmem:$0x300] =	vst v2;
	v2 =	vsel vm0, v3, v10;
	v3 =	vmax.f32 v11, v48  }
0xbf: {  	v55 =	vld [tilespmem:$0x700];
	[tilespmem:$0x380] =	vst v2;
	v2 =	vsel vm0, v3, v11;
	v3 =	vmax.f32 v45, v50  }
0xc0: {  	v57 =	vld [tilespmem:$0x780];
	[tilespmem:$0x400] =	vst v2;
	v2 =	vsel vm0, v3, v45;
	v3 =	vmax.f32 v47, v52  }
0xc1: {  	v59 =	vld [tilespmem:$0x800];
	[tilespmem:$0x480] =	vst v2;
	v2 =	vsel vm0, v3, v47;
	v3 =	vmax.f32 v49, v54  }
0xc2: {  	[tilespmem:$0x500] =	vst v2;
	v2 =	vsel vm0, v3, v49;
	v3 =	vmax.f32 v51, v56  }
0xc3: {  	[tilespmem:$0x580] =	vst v2;
	v2 =	vsel vm0, v3, v51;
	v3 =	vmax.f32 v53, v58  }
0xc4: {  	[tilespmem:$0x600] =	vst v2;
	v2 =	vsel vm0, v3, v53;
	v3 =	vmax.f32 v55, v60  }
0xc5: {  	[tilespmem:$0x680] =	vst v2;
	v2 =	vsel vm0, v3, v55;
	v3 =	vmax.f32 v57, v62  }
0xc6: {  	[tilespmem:$0x700] =	vst v2;
	v2 =	vsel vm0, v3, v57;
	v3 =	vmax.f32 v59, v63  }
0xc7: {  	[tilespmem:$0x780] =	vst v2;
	v2 =	vsel vm0, v3, v59  }
0xc8: {  	s13 =	simm.s32 $0x100;
	[tilespmem:$0x800] =	vst v2  }
0xc9: {  	[hbm4b:s28+s3] =	stream.linear.scatter [tilespmem:s13], [sflag:$0x1], $0x10, $0x38;
	[tilespmem:$0x900] =	vst v63  }
0xca: {  	s28 =	simm.s32 $0x180  }
0xcb: {  	[hbm4b:s16+s3] =	stream.linear.scatter [tilespmem:s28], [sflag:$0x1], $0x10, $0x38;
	[tilespmem:$0x900] =	vst v63  }
0xcc: {  	s8 =	simm.s32 $0x200  }
0xcd: {  	[hbm4b:s29+s3] =	stream.linear.scatter [tilespmem:s8], [sflag:$0x1], $0x10, $0x38;
	[tilespmem:$0x900] =	vst v63  }
0xce: {  	_ = 	snop  }
0xcf: {  	[hbm4b:s17+s3] =	stream.linear.scatter [tilespmem:s4], [sflag:$0x1], $0x10, $0x38;
	[tilespmem:$0x900] =	vst v63  }
0xd0: {  	s13 =	simm.s32 $0x300  }
0xd1: {  	[hbm4b:s30+s3] =	stream.linear.scatter [tilespmem:s13], [sflag:$0x1], $0x10, $0x38;
	[tilespmem:$0x900] =	vst v63  }
0xd2: {  	s16 =	simm.s32 $0x380  }
0xd3: {  	[hbm4b:s18+s3] =	stream.linear.scatter [tilespmem:s16], [sflag:$0x1], $0x10, $0x38;
	[tilespmem:$0x900] =	vst v63  }
0xd4: {  	s17 =	simm.s32 $0x400  }
0xd5: {  	[hbm4b:s31+s3] =	stream.linear.scatter [tilespmem:s17], [sflag:$0x1], $0x10, $0x38;
	[tilespmem:$0x900] =	vst v63  }
0xd6: {  	s18 =	simm.s32 $0x480  }
0xd7: {  	[hbm4b:s19+s3] =	stream.linear.scatter [tilespmem:s18], [sflag:$0x1], $0x10, $0x38;
	[tilespmem:$0x900] =	vst v63  }
0xd8: {  	s28 =	simm.s32 $0x500  }
0xd9: {  	[hbm4b:s0+s3] =	stream.linear.scatter [tilespmem:s28], [sflag:$0x1], $0x10, $0x38;
	[tilespmem:$0x900] =	vst v63  }
0xda: {  	s29 =	simm.s32 $0x580  }
0xdb: {  	[hbm4b:s20+s3] =	stream.linear.scatter [tilespmem:s29], [sflag:$0x1], $0x10, $0x38;
	[tilespmem:$0x900] =	vst v63  }
0xdc: {  	s30 =	simm.s32 $0x600  }
0xdd: {  	[hbm4b:s21+s3] =	stream.linear.scatter [tilespmem:s30], [sflag:$0x1], $0x10, $0x38;
	[tilespmem:$0x900] =	vst v63  }
0xde: {  	s31 =	simm.s32 $0x680  }
0xdf: {  	[hbm4b:s26+s3] =	stream.linear.scatter [tilespmem:s31], [sflag:$0x1], $0x10, $0x38;
	[tilespmem:$0x900] =	vst v63  }
0xe0: {  	_ = 	snop  }
0xe1: {  	[hbm4b:s22+s3] =	stream.linear.scatter [tilespmem:s15], [sflag:$0x1], $0x10, $0x38;
	[tilespmem:$0x900] =	vst v63  }
0xe2: {  	_ = 	snop  }
0xe3: {  	[hbm4b:s7+s3] =	stream.linear.scatter [tilespmem:s14], [sflag:$0x1], $0x10, $0x38;
	[tilespmem:$0x900] =	vst v63  }
0xe4: {  	_ = 	snop  }
0xe5: {  	[hbm4b:s9+s3] =	stream.linear.scatter [tilespmem:s11], [sflag:$0x1], $0x10, $0x38;
	[tilespmem:$0x900] =	vst v63  }
0xe6: {  	_ = 	snop  }
0xe7: {  	[hbm4b:s10+s3] =	stream.linear.scatter [tilespmem:s12], [sflag:$0x1], $0x10, $0x38;
	[tilespmem:$0x900] =	vst v63  }
0xe8: {  	_ =	swait.ge [sflag:s25], $0x10  }
0xe9: {  	[sflag:s25] =	ssyncset.done $0x0  }
0xea: {  	[sflag:s25] =	ssyncadd.s32 $0xFFFFFFF0  }
0xeb: {  	_ =	swait.ge [sflag:s25], $0x10  }
0xec: {  	[sflag:s25] =	ssyncset.done $0x0  }
0xed: {  	[sflag:s25] =	ssyncadd.s32 $0xFFFFFFF0  }
0xee: {  	_ =	swait.ge [sflag:s25], $0x10  }
0xef: {  	[sflag:s25] =	ssyncset.done $0x0  }
0xf0: {  	[sflag:s25] =	ssyncadd.s32 $0xFFFFFFF0  }
0xf1: {  	_ =	swait.ge [sflag:s25], $0x10  }
0xf2: {  	[sflag:s25] =	ssyncset.done $0x0  }
0xf3: {  	[sflag:s25] =	ssyncadd.s32 $0xFFFFFFF0  }
0xf4: {  	_ =	swait.ge [sflag:s25], $0x10  }
0xf5: {  	[sflag:s25] =	ssyncset.done $0x0  }
0xf6: {  	[sflag:s25] =	ssyncadd.s32 $0xFFFFFFF0  }
0xf7: {  	_ =	swait.ge [sflag:s25], $0x10  }
0xf8: {  	[sflag:s25] =	ssyncset.done $0x0  }
0xf9: {  	[sflag:s25] =	ssyncadd.s32 $0xFFFFFFF0  }
0xfa: {  	_ =	swait.ge [sflag:s25], $0x10  }
0xfb: {  	[sflag:s25] =	ssyncset.done $0x0  }
0xfc: {  	[sflag:s25] =	ssyncadd.s32 $0xFFFFFFF0  }
0xfd: {  	_ =	swait.ge [sflag:s25], $0x10  }
0xfe: {  	[sflag:s25] =	ssyncset.done $0x0  }
0xff: {  	[sflag:s25] =	ssyncadd.s32 $0xFFFFFFF0  }
0x100: {  	_ =	swait.ge [sflag:s25], $0x10  }
0x101: {  	[sflag:s25] =	ssyncset.done $0x0  }
0x102: {  	[sflag:s25] =	ssyncadd.s32 $0xFFFFFFF0  }
0x103: {  	_ =	swait.ge [sflag:s25], $0x10  }
0x104: {  	[sflag:s25] =	ssyncset.done $0x0  }
0x105: {  	[sflag:s25] =	ssyncadd.s32 $0xFFFFFFF0  }
0x106: {  	_ =	swait.ge [sflag:s25], $0x10  }
0x107: {  	[sflag:s25] =	ssyncset.done $0x0  }
0x108: {  	[sflag:s25] =	ssyncadd.s32 $0xFFFFFFF0  }
0x109: {  	_ =	swait.ge [sflag:s25], $0x10  }
0x10a: {  	[sflag:s25] =	ssyncset.done $0x0  }
0x10b: {  	[sflag:s25] =	ssyncadd.s32 $0xFFFFFFF0  }
0x10c: {  	_ =	swait.ge [sflag:s25], $0x10  }
0x10d: {  	[sflag:s25] =	ssyncset.done $0x0  }
0x10e: {  	[sflag:s25] =	ssyncadd.s32 $0xFFFFFFF0  }
0x10f: {  	_ =	swait.ge [sflag:s25], $0x10  }
0x110: {  	[sflag:s25] =	ssyncset.done $0x0  }
0x111: {  	[sflag:s25] =	ssyncadd.s32 $0xFFFFFFF0  }
0x112: {  	_ =	swait.ge [sflag:s25], $0x10  }
.Ltmp3:
0x113: {  	[sflag:s25] =	ssyncset.done $0x0;
	(pc) =	sbr.rel .LBB2_3-.Ltmp3, $4  }
0x114: {  	[sflag:s25] =	ssyncadd.s32 $0xFFFFFFF0  }
0x115: {  	_ =	swait.ge [sflag:s25], $0x10  }
0x116: {  	[sflag:s25] =	ssyncset.done $0x0  }
0x117: {  	s4 =	smov.u32 s5;
	s5 =	smov.u32 s6;
	[sflag:s25] =	ssyncadd.s32 $0xFFFFFFF0  }
.LBB2_4:
0x118: {  	_ =	sfence.sel $0x180000  }
0x119: {  	[bflag:$0x0] =	sbarrier.arrive $0xFFFF  }
0x11a: {  	_ =	strace $0x90000047  }
0x11b: {  	s0 =	stileid.u32;
	[bflag:$0x2] =	sbarrier.arrive $0xFFFF  }
0x11c: {  	p0 =	sne.s32 s0, $0x0;
	s0 =	rddreg [dreg:$0x3]  }
0x11d: {  	s0 =	sadd.s32 @!p0 $0x100000, s0  }
0x11e: {  	[sflag:s0] =	ssyncadd.tile.s32 @!p0 $0x1;
	_ =	shalt  }
.Lfunc_end2:
_tile_overlayer_lowered:
.L_overlay_start_2:
0x11f: {  	(tag) =	ssettag $0x2  }
0x120: {  	s0 =	rddreg [dreg:$0x0];
	s2 =	stileid.u32  }
0x121: {  	s1 =	rddreg [dreg:$0x1];
	p0 =	sne.s32 s2, $0x0  }
0x122: {  	s3 =	rddreg [dreg:$0x2];
	[bflag:$0x3] =	sbarrier.arrive $0xFFFF;
	s2 =	simm.s32 @!p0 $0x1C02  }
0x123: {  	[timem:s3], [sflag:s2] =	dma.local @!p0 [hbm:s0], s1  }
0x124: {  	s0 =	simm.s32 @!p0 $0x2  }
0x125: {  	_ =	swait.ge @!p0 [sflag:s0], s1  }
0x126: {  	s1 =	ssub.s32 @!p0 $0x0, s1;
	[sflag:s0] =	ssyncset.done @!p0 $0x0  }
0x127: {  	[sflag:s0] =	ssyncadd.s32 @!p0 s1  }
0x128: {  	[bflag:$0x3] =	sbarrier.arrive $0xFFFF  }
0x129: {  	_ =	shalt  }

</sc_bundles>
